<compile_context>
chip_gen: v7x
topology: tpu7x:2x2x1
jax: 0.10.2.dev20260603
libtpu: 0.0.44.dev20260713+nightly
codegen_flags: <defaults>
</compile_context>

<pallas_src>
import jax
import jax.numpy as jnp
from jax import lax
from jax.experimental import pallas as pl
from jax.experimental.pallas import tpu as pltpu
from jax.experimental.pallas import tpu_sc as plsc

N_NODES = 100000
N_NEIGH = 64
L = 16
NC, NS = 2, 16
NW = NC * NS
CH = 256

NSC = 32768
NFULL = NSC // CH
MAXC = NFULL // NW
NPAIR = (MAXC + 1) // 2
NTC = N_NODES - NSC
BT = 16384


def _sc_body(
    x_hbm, w_hbm, b_hbm, o_hbm,
    xv0, wv0, bv0, ov0, xv1, wv1, bv1, ov1,
    sin0, sin1, sout0, sout1,
):
    wid = lax.axis_index("s") * NC + lax.axis_index("c")
    xvs, wvs, bvs, ovs = (xv0, xv1), (wv0, wv1), (bv0, bv1), (ov0, ov1)
    sins, souts = (sin0, sin1), (sout0, sout1)

    def start_in(k, b):
        base = k * CH
        pltpu.async_copy(x_hbm.at[:, pl.ds(base, CH)], xvs[b], sins[b])
        pltpu.async_copy(w_hbm.at[:, pl.ds(base, CH)], wvs[b], sins[b])
        pltpu.async_copy(b_hbm.at[pl.ds(base, CH)], bvs[b], sins[b])

    def wait_in(k, b):
        base = k * CH
        pltpu.make_async_copy(x_hbm.at[:, pl.ds(base, CH)], xvs[b], sins[b]).wait()
        pltpu.make_async_copy(w_hbm.at[:, pl.ds(base, CH)], wvs[b], sins[b]).wait()
        pltpu.make_async_copy(b_hbm.at[pl.ds(base, CH)], bvs[b], sins[b]).wait()

    def start_out(k, b):
        pltpu.async_copy(ovs[b], o_hbm.at[pl.ds(k * CH, CH)], souts[b])

    def wait_out(k, b):
        pltpu.make_async_copy(ovs[b], o_hbm.at[pl.ds(k * CH, CH)], souts[b]).wait()

    def compute(xr, wr, br, orr):
        def group_iter(it, c2):
            sl = pl.ds(it * L, L)

            def col_block(jb, accs):
                j0 = jb * L
                a = list(accs)
                for m in range(L):
                    a[m % 4] = a[m % 4] + xr[j0 + m, sl] * wr[j0 + m, sl]
                return tuple(a)

            z = jnp.zeros((L,), jnp.float32)
            a0, a1, a2, a3 = lax.fori_loop(
                0, N_NEIGH // L, col_block, (z, z, z, z)
            )
            orr[sl] = br[sl] + ((a0 + a1) + (a2 + a3))
            return c2

        lax.fori_loop(0, CH // L, group_iter, 0)

    start_in(wid, 0)

    def pair_body(p, carry):
        i0 = 2 * p
        k0 = wid + i0 * NW
        k1 = k0 + NW

        @pl.when(i0 + 1 < MAXC)
        def _():
            start_in(k1, 1)

        wait_in(k0, 0)

        @pl.when(i0 >= 2)
        def _():
            wait_out(k0 - 2 * NW, 0)

        compute(xvs[0], wvs[0], bvs[0], ovs[0])
        start_out(k0, 0)

        @pl.when(i0 + 2 < MAXC)
        def _():
            start_in(k1 + NW, 0)

        @pl.when(i0 + 1 < MAXC)
        def _():
            wait_in(k1, 1)

            @pl.when(i0 >= 1)
            def _():
                wait_out(k1 - 2 * NW, 1)

            compute(xvs[1], wvs[1], bvs[1], ovs[1])
            start_out(k1, 1)

        return carry

    lax.fori_loop(0, NPAIR, pair_body, 0)

    ilast = MAXC - 1
    klast = wid + ilast * NW
    if ilast % 2 == 0:
        wait_out(klast, 0)
        if MAXC >= 2:
            wait_out(klast - NW, 1)
    else:
        wait_out(klast, 1)
        if MAXC >= 2:
            wait_out(klast - NW, 0)


def _tc_body(x_ref, w_ref, b_ref, o_ref):
    o_ref[...] = b_ref[...] + jnp.sum(x_ref[...] * w_ref[...], axis=0)


@jax.jit
def kernel(layer_input, weight, bias):
    xT = layer_input.T
    wT = weight.T

    mesh = plsc.VectorSubcoreMesh(core_axis_name="c", subcore_axis_name="s")
    sc_run = pl.kernel(
        _sc_body,
        out_type=jax.ShapeDtypeStruct((NSC,), jnp.float32),
        mesh=mesh,
        compiler_params=pltpu.CompilerParams(
            needs_layout_passes=False,
        ),
        scratch_types=[
            pltpu.VMEM((N_NEIGH, CH), jnp.float32),
            pltpu.VMEM((N_NEIGH, CH), jnp.float32),
            pltpu.VMEM((CH,), jnp.float32),
            pltpu.VMEM((CH,), jnp.float32),
            pltpu.VMEM((N_NEIGH, CH), jnp.float32),
            pltpu.VMEM((N_NEIGH, CH), jnp.float32),
            pltpu.VMEM((CH,), jnp.float32),
            pltpu.VMEM((CH,), jnp.float32),
            pltpu.SemaphoreType.DMA,
            pltpu.SemaphoreType.DMA,
            pltpu.SemaphoreType.DMA,
            pltpu.SemaphoreType.DMA,
        ],
    )
    sc_out = sc_run(xT, wT, bias)

    off = NSC // BT
    tc_out = pl.pallas_call(
        _tc_body,
        grid=(pl.cdiv(NTC, BT),),
        in_specs=[
            pl.BlockSpec((N_NEIGH, BT), lambda i: (0, off + i)),
            pl.BlockSpec((N_NEIGH, BT), lambda i: (0, off + i)),
            pl.BlockSpec((BT,), lambda i: (off + i,)),
        ],
        out_specs=pl.BlockSpec((BT,), lambda i: (i,)),
        out_shape=jax.ShapeDtypeStruct((NTC,), jnp.float32),
    )(xT, wT, bias)

    return jnp.concatenate([sc_out, tc_out])

# --- scband reference (transcript-rebuilt; emitter-appended) ---
"""Pipeline reference for scband-pre-selection-convolution-35510789604086 (READ-ONLY COPY).

The authoritative reference and input builder live on the scoring server;
editing this copy changes nothing except your own understanding.
"""

import jax, jax.numpy as jnp
import numpy as np

N_NODES = 100000
N_NEIGH = 64

def setup_inputs(seed: int = 0) -> dict:
    key = jax.random.key(seed)
    k1, k2, k3 = jax.random.split(key, 3)
    layer_input = jax.random.normal(k1, (N_NODES, N_NEIGH), dtype=jnp.float32)
    # xavier_uniform for weight [n_nodes, n_neighbours]
    limit = float(np.sqrt(6.0 / (N_NODES + N_NEIGH)))
    weight = jax.random.uniform(k2, (N_NODES, N_NEIGH), dtype=jnp.float32, minval=-limit, maxval=limit)
    bias = jax.random.normal(k3, (N_NODES,), dtype=jnp.float32)
    return {"layer_input": layer_input, "weight": weight, "bias": bias}

def reference(layer_input, weight, bias):
    # original: x = layer_input * sparse(weight); x = sparse.sum(x, dim=1); return bias + x
    # the 'sparse' weight is a fully-dense tensor converted to_sparse, so math is a
    # dense elementwise multiply followed by a row-wise (per-node segment) sum.
    x = layer_input * weight
    x = jnp.sum(x, axis=1)
    return bias + x

if __name__ == "__main__":
    import jax
    _d = setup_inputs()
    print(jax.jit(kernel)(*tuple(_d.values())))

</pallas_src>

<mosaic_0001>
#map = affine_map<(d0, d1) -> (0, 0)>
#map1 = affine_map<(d0, d1) -> (0)>
module attributes {stable_mosaic.version = 14 : i64} {
  func.func @_sc_body(%arg0: i32, %arg1: i32, %arg2: memref<64x100000xf32, #tpu.memory_space<hbm>>, %arg3: memref<64x100000xf32, #tpu.memory_space<hbm>>, %arg4: memref<100000xf32, #tpu.memory_space<hbm>>, %arg5: memref<32768xf32, #tpu.memory_space<hbm>>, %arg6: memref<64x256xf32, #tpu.memory_space<vmem>>, %arg7: memref<64x256xf32, #tpu.memory_space<vmem>>, %arg8: memref<256xf32, #tpu.memory_space<vmem>>, %arg9: memref<256xf32, #tpu.memory_space<vmem>>, %arg10: memref<64x256xf32, #tpu.memory_space<vmem>>, %arg11: memref<64x256xf32, #tpu.memory_space<vmem>>, %arg12: memref<256xf32, #tpu.memory_space<vmem>>, %arg13: memref<256xf32, #tpu.memory_space<vmem>>, %arg14: memref<!tpu.dma_semaphore, #tpu.memory_space<semaphore_mem>>, %arg15: memref<!tpu.dma_semaphore, #tpu.memory_space<semaphore_mem>>, %arg16: memref<!tpu.dma_semaphore, #tpu.memory_space<semaphore_mem>>, %arg17: memref<!tpu.dma_semaphore, #tpu.memory_space<semaphore_mem>>) attributes {dimension_semantics = [#tpu.dimension_semantics<core_parallel>, #tpu.dimension_semantics<subcore_parallel>], iteration_bounds = array<i64: 2, 16>, scalar_prefetch = 0 : i64, scratch_operands = 12 : i64, tpu.core_type = #tpu.core_type<sc_vector_subcore>, window_params = [{transform_indices = #map}, {transform_indices = #map}, {transform_indices = #map1}, {transform_indices = #map1}]} {
    %mul3A = arith.constant 2 : i32
    %mul3A_0 = arith.muli %arg1, %mul3A : i32
    %add3A = arith.addi %mul3A_0, %arg0 : i32
    %mul3A_1 = arith.constant 256 : i32
    %mul3A_2 = arith.muli %add3A, %mul3A_1 : i32
    %dma_start3A = arith.constant 0 : i32
    %dma_start3A_3 = tpu.memref_slice %arg2[%dma_start3A, %mul3A_2] : memref<64x100000xf32, #tpu.memory_space<hbm>> -> memref<64x256xf32, #tpu.memory_space<hbm>>
    %dma_start3A_4 = arith.constant 0 : i32
    %dma_start3A_5 = tpu.memref_slice %arg2[%dma_start3A_4, %mul3A_2] : memref<64x100000xf32, #tpu.memory_space<hbm>> -> memref<64x256xf32, #tpu.memory_space<hbm>>
    tpu.enqueue_dma source(%dma_start3A_5 : memref<64x256xf32, #tpu.memory_space<hbm>>) target(%arg6 : memref<64x256xf32, #tpu.memory_space<vmem>>) target_semaphore(%arg14 : memref<!tpu.dma_semaphore, #tpu.memory_space<semaphore_mem>>)
    %dma_start3A_6 = arith.constant 0 : i32
    %dma_start3A_7 = tpu.memref_slice %arg3[%dma_start3A_6, %mul3A_2] : memref<64x100000xf32, #tpu.memory_space<hbm>> -> memref<64x256xf32, #tpu.memory_space<hbm>>
    %dma_start3A_8 = arith.constant 0 : i32
    %dma_start3A_9 = tpu.memref_slice %arg3[%dma_start3A_8, %mul3A_2] : memref<64x100000xf32, #tpu.memory_space<hbm>> -> memref<64x256xf32, #tpu.memory_space<hbm>>
    tpu.enqueue_dma source(%dma_start3A_9 : memref<64x256xf32, #tpu.memory_space<hbm>>) target(%arg7 : memref<64x256xf32, #tpu.memory_space<vmem>>) target_semaphore(%arg14 : memref<!tpu.dma_semaphore, #tpu.memory_space<semaphore_mem>>)
    %dma_start3A_10 = tpu.memref_slice %arg4[%mul3A_2] : memref<100000xf32, #tpu.memory_space<hbm>> -> memref<256xf32, #tpu.memory_space<hbm>>
    %dma_start3A_11 = tpu.memref_slice %arg4[%mul3A_2] : memref<100000xf32, #tpu.memory_space<hbm>> -> memref<256xf32, #tpu.memory_space<hbm>>
    tpu.enqueue_dma source(%dma_start3A_11 : memref<256xf32, #tpu.memory_space<hbm>>) target(%arg8 : memref<256xf32, #tpu.memory_space<vmem>>) target_semaphore(%arg14 : memref<!tpu.dma_semaphore, #tpu.memory_space<semaphore_mem>>)
    %scan3A = arith.constant 0 : i32
    %scan3A_12 = arith.constant 0 : i32
    %scan3A_13 = arith.constant 2 : i32
    %scan3A_14 = arith.addi %scan3A_12, %scan3A_13 : i32
    %scan3A_15 = arith.constant 1 : i32
    scf.for %scan3A_27 = %scan3A_12 to %scan3A_14 step %scan3A_15  : i32 {
      %mul3A_28 = arith.constant 2 : i32
      %mul3A_29 = arith.muli %mul3A_28, %scan3A_27 : i32
      %mul3A_30 = arith.constant 32 : i32
      %mul3A_31 = arith.muli %mul3A_29, %mul3A_30 : i32
      %add3A_32 = arith.addi %add3A, %mul3A_31 : i32
      %add3A_33 = arith.constant 32 : i32
      %add3A_34 = arith.addi %add3A_32, %add3A_33 : i32
      %add3A_35 = arith.constant 1 : i32
      %add3A_36 = arith.addi %mul3A_29, %add3A_35 : i32
      %lt3A = arith.constant 4 : i32
      %lt3A_37 = arith.cmpi slt, %add3A_36, %lt3A : i32
      %convert_element_type3A = arith.extui %lt3A_37 : i1 to i32
      %cond3A = arith.constant 0 : i32
      %cond3A_38 = arith.cmpi ne, %convert_element_type3A, %cond3A : i32
      scf.if %cond3A_38 {
        %mul3A_79 = arith.constant 256 : i32
        %mul3A_80 = arith.muli %add3A_34, %mul3A_79 : i32
        %dma_start3A_81 = arith.constant 0 : i32
        %dma_start3A_82 = tpu.memref_slice %arg2[%dma_start3A_81, %mul3A_80] : memref<64x100000xf32, #tpu.memory_space<hbm>> -> memref<64x256xf32, #tpu.memory_space<hbm>>
        %dma_start3A_83 = arith.constant 0 : i32
        %dma_start3A_84 = tpu.memref_slice %arg2[%dma_start3A_83, %mul3A_80] : memref<64x100000xf32, #tpu.memory_space<hbm>> -> memref<64x256xf32, #tpu.memory_space<hbm>>
        tpu.enqueue_dma source(%dma_start3A_84 : memref<64x256xf32, #tpu.memory_space<hbm>>) target(%arg10 : memref<64x256xf32, #tpu.memory_space<vmem>>) target_semaphore(%arg15 : memref<!tpu.dma_semaphore, #tpu.memory_space<semaphore_mem>>)
        %dma_start3A_85 = arith.constant 0 : i32
        %dma_start3A_86 = tpu.memref_slice %arg3[%dma_start3A_85, %mul3A_80] : memref<64x100000xf32, #tpu.memory_space<hbm>> -> memref<64x256xf32, #tpu.memory_space<hbm>>
        %dma_start3A_87 = arith.constant 0 : i32
        %dma_start3A_88 = tpu.memref_slice %arg3[%dma_start3A_87, %mul3A_80] : memref<64x100000xf32, #tpu.memory_space<hbm>> -> memref<64x256xf32, #tpu.memory_space<hbm>>
        tpu.enqueue_dma source(%dma_start3A_88 : memref<64x256xf32, #tpu.memory_space<hbm>>) target(%arg11 : memref<64x256xf32, #tpu.memory_space<vmem>>) target_semaphore(%arg15 : memref<!tpu.dma_semaphore, #tpu.memory_space<semaphore_mem>>)
        %dma_start3A_89 = tpu.memref_slice %arg4[%mul3A_80] : memref<100000xf32, #tpu.memory_space<hbm>> -> memref<256xf32, #tpu.memory_space<hbm>>
        %dma_start3A_90 = tpu.memref_slice %arg4[%mul3A_80] : memref<100000xf32, #tpu.memory_space<hbm>> -> memref<256xf32, #tpu.memory_space<hbm>>
        tpu.enqueue_dma source(%dma_start3A_90 : memref<256xf32, #tpu.memory_space<hbm>>) target(%arg12 : memref<256xf32, #tpu.memory_space<vmem>>) target_semaphore(%arg15 : memref<!tpu.dma_semaphore, #tpu.memory_space<semaphore_mem>>)
      } else {
      }
      %mul3A_39 = arith.constant 256 : i32
      %mul3A_40 = arith.muli %add3A_32, %mul3A_39 : i32
      %dma_wait3A_41 = arith.constant 0 : i32
      %dma_wait3A_42 = tpu.memref_slice %arg2[%dma_wait3A_41, %mul3A_40] : memref<64x100000xf32, #tpu.memory_space<hbm>> -> memref<64x256xf32, #tpu.memory_space<hbm>>
      %dma_wait3A_43 = arith.constant 0 : i32
      %dma_wait3A_44 = tpu.memref_slice %arg2[%dma_wait3A_43, %mul3A_40] : memref<64x100000xf32, #tpu.memory_space<hbm>> -> memref<64x256xf32, #tpu.memory_space<hbm>>
      tpu.wait_dma2 semaphore(%arg14 : memref<!tpu.dma_semaphore, #tpu.memory_space<semaphore_mem>>) src(%dma_wait3A_44 : memref<64x256xf32, #tpu.memory_space<hbm>>) dst(%arg6 : memref<64x256xf32, #tpu.memory_space<vmem>>)
      %dma_wait3A_45 = arith.constant 0 : i32
      %dma_wait3A_46 = tpu.memref_slice %arg3[%dma_wait3A_45, %mul3A_40] : memref<64x100000xf32, #tpu.memory_space<hbm>> -> memref<64x256xf32, #tpu.memory_space<hbm>>
      %dma_wait3A_47 = arith.constant 0 : i32
      %dma_wait3A_48 = tpu.memref_slice %arg3[%dma_wait3A_47, %mul3A_40] : memref<64x100000xf32, #tpu.memory_space<hbm>> -> memref<64x256xf32, #tpu.memory_space<hbm>>
      tpu.wait_dma2 semaphore(%arg14 : memref<!tpu.dma_semaphore, #tpu.memory_space<semaphore_mem>>) src(%dma_wait3A_48 : memref<64x256xf32, #tpu.memory_space<hbm>>) dst(%arg7 : memref<64x256xf32, #tpu.memory_space<vmem>>)
      %dma_wait3A_49 = tpu.memref_slice %arg4[%mul3A_40] : memref<100000xf32, #tpu.memory_space<hbm>> -> memref<256xf32, #tpu.memory_space<hbm>>
      %dma_wait3A_50 = tpu.memref_slice %arg4[%mul3A_40] : memref<100000xf32, #tpu.memory_space<hbm>> -> memref<256xf32, #tpu.memory_space<hbm>>
      tpu.wait_dma2 semaphore(%arg14 : memref<!tpu.dma_semaphore, #tpu.memory_space<semaphore_mem>>) src(%dma_wait3A_50 : memref<256xf32, #tpu.memory_space<hbm>>) dst(%arg8 : memref<256xf32, #tpu.memory_space<vmem>>)
      %ge3A = arith.constant 2 : i32
      %ge3A_51 = arith.cmpi sge, %mul3A_29, %ge3A : i32
      %convert_element_type3A_52 = arith.extui %ge3A_51 : i1 to i32
      %cond3A_53 = arith.constant 0 : i32
      %cond3A_54 = arith.cmpi ne, %convert_element_type3A_52, %cond3A_53 : i32
      scf.if %cond3A_54 {
        %sub3A_79 = arith.constant 64 : i32
        %sub3A_80 = arith.subi %add3A_32, %sub3A_79 : i32
        %mul3A_81 = arith.constant 256 : i32
        %mul3A_82 = arith.muli %sub3A_80, %mul3A_81 : i32
        %dma_wait3A_83 = tpu.memref_slice %arg5[%mul3A_82] : memref<32768xf32, #tpu.memory_space<hbm>> -> memref<256xf32, #tpu.memory_space<hbm>>
        %dma_wait3A_84 = tpu.memref_slice %arg5[%mul3A_82] : memref<32768xf32, #tpu.memory_space<hbm>> -> memref<256xf32, #tpu.memory_space<hbm>>
        tpu.wait_dma2 semaphore(%arg16 : memref<!tpu.dma_semaphore, #tpu.memory_space<semaphore_mem>>) src(%arg9 : memref<256xf32, #tpu.memory_space<vmem>>) dst(%dma_wait3A_84 : memref<256xf32, #tpu.memory_space<hbm>>)
      } else {
      }
      %scan3A_55 = arith.constant 0 : i32
      %scan3A_56 = arith.constant 0 : i32
      %scan3A_57 = arith.constant 16 : i32
      %scan3A_58 = arith.addi %scan3A_56, %scan3A_57 : i32
      %scan3A_59 = arith.constant 1 : i32
      scf.for %scan3A_79 = %scan3A_56 to %scan3A_58 step %scan3A_59  : i32 {
        %mul3A_80 = arith.constant 16 : i32
        %mul3A_81 = arith.muli %scan3A_79, %mul3A_80 : i32
        %broadcast_in_dim3A = arith.constant 0.000000e+00 : f32
        %broadcast_in_dim3A_82 = vector.broadcast %broadcast_in_dim3A : f32 to vector<16xf32>
        %scan3A_83 = arith.constant 0 : i32
        %scan3A_84 = arith.constant 4 : i32
        %scan3A_85 = arith.addi %scan3A_83, %scan3A_84 : i32
        %scan3A_86 = arith.constant 1 : i32
        %scan3A_87:4 = scf.for %scan3A_95 = %scan3A_83 to %scan3A_85 step %scan3A_86 iter_args(%scan3A_96 = %broadcast_in_dim3A_82, %scan3A_97 = %broadcast_in_dim3A_82, %scan3A_98 = %broadcast_in_dim3A_82, %scan3A_99 = %broadcast_in_dim3A_82) -> (vector<16xf32>, vector<16xf32>, vector<16xf32>, vector<16xf32>)  : i32 {
          %mul3A_100 = arith.constant 16 : i32
          %mul3A_101 = arith.muli %scan3A_95, %mul3A_100 : i32
          %add3A_102 = arith.constant 0 : i32
          %add3A_103 = arith.addi %mul3A_101, %add3A_102 : i32
          %get3A_104 = arith.index_cast %add3A_103 : i32 to index
          %get3A_105 = arith.index_cast %mul3A_81 : i32 to index
          %get3A_106 = tpu.vector_load %arg6[%get3A_104, %get3A_105] {strides = array<i32>} : memref<64x256xf32, #tpu.memory_space<vmem>>, vector<16xf32>,
          %add3A_107 = arith.constant 0 : i32
          %add3A_108 = arith.addi %mul3A_101, %add3A_107 : i32
          %get3A_109 = arith.index_cast %add3A_108 : i32 to index
          %get3A_110 = arith.index_cast %mul3A_81 : i32 to index
          %get3A_111 = tpu.vector_load %arg7[%get3A_109, %get3A_110] {strides = array<i32>} : memref<64x256xf32, #tpu.memory_space<vmem>>, vector<16xf32>,
          %mul3A_112 = arith.mulf %get3A_106, %get3A_111 : vector<16xf32>
          %add3A_113 = arith.addf %scan3A_96, %mul3A_112 : vector<16xf32>
          %add3A_114 = arith.constant 1 : i32
          %add3A_115 = arith.addi %mul3A_101, %add3A_114 : i32
          %get3A_116 = arith.index_cast %add3A_115 : i32 to index
          %get3A_117 = arith.index_cast %mul3A_81 : i32 to index
          %get3A_118 = tpu.vector_load %arg6[%get3A_116, %get3A_117] {strides = array<i32>} : memref<64x256xf32, #tpu.memory_space<vmem>>, vector<16xf32>,
          %add3A_119 = arith.constant 1 : i32
          %add3A_120 = arith.addi %mul3A_101, %add3A_119 : i32
          %get3A_121 = arith.index_cast %add3A_120 : i32 to index
          %get3A_122 = arith.index_cast %mul3A_81 : i32 to index
          %get3A_123 = tpu.vector_load %arg7[%get3A_121, %get3A_122] {strides = array<i32>} : memref<64x256xf32, #tpu.memory_space<vmem>>, vector<16xf32>,
          %mul3A_124 = arith.mulf %get3A_118, %get3A_123 : vector<16xf32>
          %add3A_125 = arith.addf %scan3A_97, %mul3A_124 : vector<16xf32>
          %add3A_126 = arith.constant 2 : i32
          %add3A_127 = arith.addi %mul3A_101, %add3A_126 : i32
          %get3A_128 = arith.index_cast %add3A_127 : i32 to index
          %get3A_129 = arith.index_cast %mul3A_81 : i32 to index
          %get3A_130 = tpu.vector_load %arg6[%get3A_128, %get3A_129] {strides = array<i32>} : memref<64x256xf32, #tpu.memory_space<vmem>>, vector<16xf32>,
          %add3A_131 = arith.constant 2 : i32
          %add3A_132 = arith.addi %mul3A_101, %add3A_131 : i32
          %get3A_133 = arith.index_cast %add3A_132 : i32 to index
          %get3A_134 = arith.index_cast %mul3A_81 : i32 to index
          %get3A_135 = tpu.vector_load %arg7[%get3A_133, %get3A_134] {strides = array<i32>} : memref<64x256xf32, #tpu.memory_space<vmem>>, vector<16xf32>,
          %mul3A_136 = arith.mulf %get3A_130, %get3A_135 : vector<16xf32>
          %add3A_137 = arith.addf %scan3A_98, %mul3A_136 : vector<16xf32>
          %add3A_138 = arith.constant 3 : i32
          %add3A_139 = arith.addi %mul3A_101, %add3A_138 : i32
          %get3A_140 = arith.index_cast %add3A_139 : i32 to index
          %get3A_141 = arith.index_cast %mul3A_81 : i32 to index
          %get3A_142 = tpu.vector_load %arg6[%get3A_140, %get3A_141] {strides = array<i32>} : memref<64x256xf32, #tpu.memory_space<vmem>>, vector<16xf32>,
          %add3A_143 = arith.constant 3 : i32
          %add3A_144 = arith.addi %mul3A_101, %add3A_143 : i32
          %get3A_145 = arith.index_cast %add3A_144 : i32 to index
          %get3A_146 = arith.index_cast %mul3A_81 : i32 to index
          %get3A_147 = tpu.vector_load %arg7[%get3A_145, %get3A_146] {strides = array<i32>} : memref<64x256xf32, #tpu.memory_space<vmem>>, vector<16xf32>,
          %mul3A_148 = arith.mulf %get3A_142, %get3A_147 : vector<16xf32>
          %add3A_149 = arith.addf %scan3A_99, %mul3A_148 : vector<16xf32>
          %add3A_150 = arith.constant 4 : i32
          %add3A_151 = arith.addi %mul3A_101, %add3A_150 : i32
          %get3A_152 = arith.index_cast %add3A_151 : i32 to index
          %get3A_153 = arith.index_cast %mul3A_81 : i32 to index
          %get3A_154 = tpu.vector_load %arg6[%get3A_152, %get3A_153] {strides = array<i32>} : memref<64x256xf32, #tpu.memory_space<vmem>>, vector<16xf32>,
          %add3A_155 = arith.constant 4 : i32
          %add3A_156 = arith.addi %mul3A_101, %add3A_155 : i32
          %get3A_157 = arith.index_cast %add3A_156 : i32 to index
          %get3A_158 = arith.index_cast %mul3A_81 : i32 to index
          %get3A_159 = tpu.vector_load %arg7[%get3A_157, %get3A_158] {strides = array<i32>} : memref<64x256xf32, #tpu.memory_space<vmem>>, vector<16xf32>,
          %mul3A_160 = arith.mulf %get3A_154, %get3A_159 : vector<16xf32>
          %add3A_161 = arith.addf %add3A_113, %mul3A_160 : vector<16xf32>
          %add3A_162 = arith.constant 5 : i32
          %add3A_163 = arith.addi %mul3A_101, %add3A_162 : i32
          %get3A_164 = arith.index_cast %add3A_163 : i32 to index
          %get3A_165 = arith.index_cast %mul3A_81 : i32 to index
          %get3A_166 = tpu.vector_load %arg6[%get3A_164, %get3A_165] {strides = array<i32>} : memref<64x256xf32, #tpu.memory_space<vmem>>, vector<16xf32>,
          %add3A_167 = arith.constant 5 : i32
          %add3A_168 = arith.addi %mul3A_101, %add3A_167 : i32
          %get3A_169 = arith.index_cast %add3A_168 : i32 to index
          %get3A_170 = arith.index_cast %mul3A_81 : i32 to index
          %get3A_171 = tpu.vector_load %arg7[%get3A_169, %get3A_170] {strides = array<i32>} : memref<64x256xf32, #tpu.memory_space<vmem>>, vector<16xf32>,
          %mul3A_172 = arith.mulf %get3A_166, %get3A_171 : vector<16xf32>
          %add3A_173 = arith.addf %add3A_125, %mul3A_172 : vector<16xf32>
          %add3A_174 = arith.constant 6 : i32
          %add3A_175 = arith.addi %mul3A_101, %add3A_174 : i32
          %get3A_176 = arith.index_cast %add3A_175 : i32 to index
          %get3A_177 = arith.index_cast %mul3A_81 : i32 to index
          %get3A_178 = tpu.vector_load %arg6[%get3A_176, %get3A_177] {strides = array<i32>} : memref<64x256xf32, #tpu.memory_space<vmem>>, vector<16xf32>,
          %add3A_179 = arith.constant 6 : i32
          %add3A_180 = arith.addi %mul3A_101, %add3A_179 : i32
          %get3A_181 = arith.index_cast %add3A_180 : i32 to index
          %get3A_182 = arith.index_cast %mul3A_81 : i32 to index
          %get3A_183 = tpu.vector_load %arg7[%get3A_181, %get3A_182] {strides = array<i32>} : memref<64x256xf32, #tpu.memory_space<vmem>>, vector<16xf32>,
          %mul3A_184 = arith.mulf %get3A_178, %get3A_183 : vector<16xf32>
          %add3A_185 = arith.addf %add3A_137, %mul3A_184 : vector<16xf32>
          %add3A_186 = arith.constant 7 : i32
          %add3A_187 = arith.addi %mul3A_101, %add3A_186 : i32
          %get3A_188 = arith.index_cast %add3A_187 : i32 to index
          %get3A_189 = arith.index_cast %mul3A_81 : i32 to index
          %get3A_190 = tpu.vector_load %arg6[%get3A_188, %get3A_189] {strides = array<i32>} : memref<64x256xf32, #tpu.memory_space<vmem>>, vector<16xf32>,
          %add3A_191 = arith.constant 7 : i32
          %add3A_192 = arith.addi %mul3A_101, %add3A_191 : i32
          %get3A_193 = arith.index_cast %add3A_192 : i32 to index
          %get3A_194 = arith.index_cast %mul3A_81 : i32 to index
          %get3A_195 = tpu.vector_load %arg7[%get3A_193, %get3A_194] {strides = array<i32>} : memref<64x256xf32, #tpu.memory_space<vmem>>, vector<16xf32>,
          %mul3A_196 = arith.mulf %get3A_190, %get3A_195 : vector<16xf32>
          %add3A_197 = arith.addf %add3A_149, %mul3A_196 : vector<16xf32>
          %add3A_198 = arith.constant 8 : i32
          %add3A_199 = arith.addi %mul3A_101, %add3A_198 : i32
          %get3A_200 = arith.index_cast %add3A_199 : i32 to index
          %get3A_201 = arith.index_cast %mul3A_81 : i32 to index
          %get3A_202 = tpu.vector_load %arg6[%get3A_200, %get3A_201] {strides = array<i32>} : memref<64x256xf32, #tpu.memory_space<vmem>>, vector<16xf32>,
          %add3A_203 = arith.constant 8 : i32
          %add3A_204 = arith.addi %mul3A_101, %add3A_203 : i32
          %get3A_205 = arith.index_cast %add3A_204 : i32 to index
          %get3A_206 = arith.index_cast %mul3A_81 : i32 to index
          %get3A_207 = tpu.vector_load %arg7[%get3A_205, %get3A_206] {strides = array<i32>} : memref<64x256xf32, #tpu.memory_space<vmem>>, vector<16xf32>,
          %mul3A_208 = arith.mulf %get3A_202, %get3A_207 : vector<16xf32>
          %add3A_209 = arith.addf %add3A_161, %mul3A_208 : vector<16xf32>
          %add3A_210 = arith.constant 9 : i32
          %add3A_211 = arith.addi %mul3A_101, %add3A_210 : i32
          %get3A_212 = arith.index_cast %add3A_211 : i32 to index
          %get3A_213 = arith.index_cast %mul3A_81 : i32 to index
          %get3A_214 = tpu.vector_load %arg6[%get3A_212, %get3A_213] {strides = array<i32>} : memref<64x256xf32, #tpu.memory_space<vmem>>, vector<16xf32>,
          %add3A_215 = arith.constant 9 : i32
          %add3A_216 = arith.addi %mul3A_101, %add3A_215 : i32
          %get3A_217 = arith.index_cast %add3A_216 : i32 to index
          %get3A_218 = arith.index_cast %mul3A_81 : i32 to index
          %get3A_219 = tpu.vector_load %arg7[%get3A_217, %get3A_218] {strides = array<i32>} : memref<64x256xf32, #tpu.memory_space<vmem>>, vector<16xf32>,
          %mul3A_220 = arith.mulf %get3A_214, %get3A_219 : vector<16xf32>
          %add3A_221 = arith.addf %add3A_173, %mul3A_220 : vector<16xf32>
          %add3A_222 = arith.constant 10 : i32
          %add3A_223 = arith.addi %mul3A_101, %add3A_222 : i32
          %get3A_224 = arith.index_cast %add3A_223 : i32 to index
          %get3A_225 = arith.index_cast %mul3A_81 : i32 to index
          %get3A_226 = tpu.vector_load %arg6[%get3A_224, %get3A_225] {strides = array<i32>} : memref<64x256xf32, #tpu.memory_space<vmem>>, vector<16xf32>,
          %add3A_227 = arith.constant 10 : i32
          %add3A_228 = arith.addi %mul3A_101, %add3A_227 : i32
          %get3A_229 = arith.index_cast %add3A_228 : i32 to index
          %get3A_230 = arith.index_cast %mul3A_81 : i32 to index
          %get3A_231 = tpu.vector_load %arg7[%get3A_229, %get3A_230] {strides = array<i32>} : memref<64x256xf32, #tpu.memory_space<vmem>>, vector<16xf32>,
          %mul3A_232 = arith.mulf %get3A_226, %get3A_231 : vector<16xf32>
          %add3A_233 = arith.addf %add3A_185, %mul3A_232 : vector<16xf32>
          %add3A_234 = arith.constant 11 : i32
          %add3A_235 = arith.addi %mul3A_101, %add3A_234 : i32
          %get3A_236 = arith.index_cast %add3A_235 : i32 to index
          %get3A_237 = arith.index_cast %mul3A_81 : i32 to index
          %get3A_238 = tpu.vector_load %arg6[%get3A_236, %get3A_237] {strides = array<i32>} : memref<64x256xf32, #tpu.memory_space<vmem>>, vector<16xf32>,
          %add3A_239 = arith.constant 11 : i32
          %add3A_240 = arith.addi %mul3A_101, %add3A_239 : i32
          %get3A_241 = arith.index_cast %add3A_240 : i32 to index
          %get3A_242 = arith.index_cast %mul3A_81 : i32 to index
          %get3A_243 = tpu.vector_load %arg7[%get3A_241, %get3A_242] {strides = array<i32>} : memref<64x256xf32, #tpu.memory_space<vmem>>, vector<16xf32>,
          %mul3A_244 = arith.mulf %get3A_238, %get3A_243 : vector<16xf32>
          %add3A_245 = arith.addf %add3A_197, %mul3A_244 : vector<16xf32>
          %add3A_246 = arith.constant 12 : i32
          %add3A_247 = arith.addi %mul3A_101, %add3A_246 : i32
          %get3A_248 = arith.index_cast %add3A_247 : i32 to index
          %get3A_249 = arith.index_cast %mul3A_81 : i32 to index
          %get3A_250 = tpu.vector_load %arg6[%get3A_248, %get3A_249] {strides = array<i32>} : memref<64x256xf32, #tpu.memory_space<vmem>>, vector<16xf32>,
          %add3A_251 = arith.constant 12 : i32
          %add3A_252 = arith.addi %mul3A_101, %add3A_251 : i32
          %get3A_253 = arith.index_cast %add3A_252 : i32 to index
          %get3A_254 = arith.index_cast %mul3A_81 : i32 to index
          %get3A_255 = tpu.vector_load %arg7[%get3A_253, %get3A_254] {strides = array<i32>} : memref<64x256xf32, #tpu.memory_space<vmem>>, vector<16xf32>,
          %mul3A_256 = arith.mulf %get3A_250, %get3A_255 : vector<16xf32>
          %add3A_257 = arith.addf %add3A_209, %mul3A_256 : vector<16xf32>
          %add3A_258 = arith.constant 13 : i32
          %add3A_259 = arith.addi %mul3A_101, %add3A_258 : i32
          %get3A_260 = arith.index_cast %add3A_259 : i32 to index
          %get3A_261 = arith.index_cast %mul3A_81 : i32 to index
          %get3A_262 = tpu.vector_load %arg6[%get3A_260, %get3A_261] {strides = array<i32>} : memref<64x256xf32, #tpu.memory_space<vmem>>, vector<16xf32>,
          %add3A_263 = arith.constant 13 : i32
          %add3A_264 = arith.addi %mul3A_101, %add3A_263 : i32
          %get3A_265 = arith.index_cast %add3A_264 : i32 to index
          %get3A_266 = arith.index_cast %mul3A_81 : i32 to index
          %get3A_267 = tpu.vector_load %arg7[%get3A_265, %get3A_266] {strides = array<i32>} : memref<64x256xf32, #tpu.memory_space<vmem>>, vector<16xf32>,
          %mul3A_268 = arith.mulf %get3A_262, %get3A_267 : vector<16xf32>
          %add3A_269 = arith.addf %add3A_221, %mul3A_268 : vector<16xf32>
          %add3A_270 = arith.constant 14 : i32
          %add3A_271 = arith.addi %mul3A_101, %add3A_270 : i32
          %get3A_272 = arith.index_cast %add3A_271 : i32 to index
          %get3A_273 = arith.index_cast %mul3A_81 : i32 to index
          %get3A_274 = tpu.vector_load %arg6[%get3A_272, %get3A_273] {strides = array<i32>} : memref<64x256xf32, #tpu.memory_space<vmem>>, vector<16xf32>,
          %add3A_275 = arith.constant 14 : i32
          %add3A_276 = arith.addi %mul3A_101, %add3A_275 : i32
          %get3A_277 = arith.index_cast %add3A_276 : i32 to index
          %get3A_278 = arith.index_cast %mul3A_81 : i32 to index
          %get3A_279 = tpu.vector_load %arg7[%get3A_277, %get3A_278] {strides = array<i32>} : memref<64x256xf32, #tpu.memory_space<vmem>>, vector<16xf32>,
          %mul3A_280 = arith.mulf %get3A_274, %get3A_279 : vector<16xf32>
          %add3A_281 = arith.addf %add3A_233, %mul3A_280 : vector<16xf32>
          %add3A_282 = arith.constant 15 : i32
          %add3A_283 = arith.addi %mul3A_101, %add3A_282 : i32
          %get3A_284 = arith.index_cast %add3A_283 : i32 to index
          %get3A_285 = arith.index_cast %mul3A_81 : i32 to index
          %get3A_286 = tpu.vector_load %arg6[%get3A_284, %get3A_285] {strides = array<i32>} : memref<64x256xf32, #tpu.memory_space<vmem>>, vector<16xf32>,
          %add3A_287 = arith.constant 15 : i32
          %add3A_288 = arith.addi %mul3A_101, %add3A_287 : i32
          %get3A_289 = arith.index_cast %add3A_288 : i32 to index
          %get3A_290 = arith.index_cast %mul3A_81 : i32 to index
          %get3A_291 = tpu.vector_load %arg7[%get3A_289, %get3A_290] {strides = array<i32>} : memref<64x256xf32, #tpu.memory_space<vmem>>, vector<16xf32>,
          %mul3A_292 = arith.mulf %get3A_286, %get3A_291 : vector<16xf32>
          %add3A_293 = arith.addf %add3A_245, %mul3A_292 : vector<16xf32>
          scf.yield %add3A_257, %add3A_269, %add3A_281, %add3A_293 : vector<16xf32>, vector<16xf32>, vector<16xf32>, vector<16xf32>
        }
        %scan3A_88 = arith.constant 4 : i32
        %get3A = arith.index_cast %mul3A_81 : i32 to index
        %get3A_89 = tpu.vector_load %arg8[%get3A] {strides = array<i32>} : memref<256xf32, #tpu.memory_space<vmem>>, vector<16xf32>,
        %add3A_90 = arith.addf %scan3A_87#0, %scan3A_87#1 : vector<16xf32>
        %add3A_91 = arith.addf %scan3A_87#2, %scan3A_87#3 : vector<16xf32>
        %add3A_92 = arith.addf %add3A_90, %add3A_91 : vector<16xf32>
        %add3A_93 = arith.addf %get3A_89, %add3A_92 : vector<16xf32>
        %swap3A = arith.index_cast %mul3A_81 : i32 to index
        %swap3A_94 = tpu.vector_load %arg9[%swap3A] {strides = array<i32>} : memref<256xf32, #tpu.memory_space<vmem>>, vector<16xf32>,
        tpu.vector_store %arg9[%swap3A], %add3A_93 {strides = array<i32>} : memref<256xf32, #tpu.memory_space<vmem>>, vector<16xf32>,
      }
      %scan3A_60 = arith.constant 16 : i32
      %mul3A_61 = arith.constant 256 : i32
      %mul3A_62 = arith.muli %add3A_32, %mul3A_61 : i32
      %dma_start3A_63 = tpu.memref_slice %arg5[%mul3A_62] : memref<32768xf32, #tpu.memory_space<hbm>> -> memref<256xf32, #tpu.memory_space<hbm>>
      %dma_start3A_64 = tpu.memref_slice %arg5[%mul3A_62] : memref<32768xf32, #tpu.memory_space<hbm>> -> memref<256xf32, #tpu.memory_space<hbm>>
      tpu.enqueue_dma source(%arg9 : memref<256xf32, #tpu.memory_space<vmem>>) target(%dma_start3A_64 : memref<256xf32, #tpu.memory_space<hbm>>) target_semaphore(%arg16 : memref<!tpu.dma_semaphore, #tpu.memory_space<semaphore_mem>>)
      %add3A_65 = arith.constant 2 : i32
      %add3A_66 = arith.addi %mul3A_29, %add3A_65 : i32
      %lt3A_67 = arith.constant 4 : i32
      %lt3A_68 = arith.cmpi slt, %add3A_66, %lt3A_67 : i32
      %convert_element_type3A_69 = arith.extui %lt3A_68 : i1 to i32
      %cond3A_70 = arith.constant 0 : i32
      %cond3A_71 = arith.cmpi ne, %convert_element_type3A_69, %cond3A_70 : i32
      scf.if %cond3A_71 {
        %add3A_79 = arith.constant 32 : i32
        %add3A_80 = arith.addi %add3A_34, %add3A_79 : i32
        %mul3A_81 = arith.constant 256 : i32
        %mul3A_82 = arith.muli %add3A_80, %mul3A_81 : i32
        %dma_start3A_83 = arith.constant 0 : i32
        %dma_start3A_84 = tpu.memref_slice %arg2[%dma_start3A_83, %mul3A_82] : memref<64x100000xf32, #tpu.memory_space<hbm>> -> memref<64x256xf32, #tpu.memory_space<hbm>>
        %dma_start3A_85 = arith.constant 0 : i32
        %dma_start3A_86 = tpu.memref_slice %arg2[%dma_start3A_85, %mul3A_82] : memref<64x100000xf32, #tpu.memory_space<hbm>> -> memref<64x256xf32, #tpu.memory_space<hbm>>
        tpu.enqueue_dma source(%dma_start3A_86 : memref<64x256xf32, #tpu.memory_space<hbm>>) target(%arg6 : memref<64x256xf32, #tpu.memory_space<vmem>>) target_semaphore(%arg14 : memref<!tpu.dma_semaphore, #tpu.memory_space<semaphore_mem>>)
        %dma_start3A_87 = arith.constant 0 : i32
        %dma_start3A_88 = tpu.memref_slice %arg3[%dma_start3A_87, %mul3A_82] : memref<64x100000xf32, #tpu.memory_space<hbm>> -> memref<64x256xf32, #tpu.memory_space<hbm>>
        %dma_start3A_89 = arith.constant 0 : i32
        %dma_start3A_90 = tpu.memref_slice %arg3[%dma_start3A_89, %mul3A_82] : memref<64x100000xf32, #tpu.memory_space<hbm>> -> memref<64x256xf32, #tpu.memory_space<hbm>>
        tpu.enqueue_dma source(%dma_start3A_90 : memref<64x256xf32, #tpu.memory_space<hbm>>) target(%arg7 : memref<64x256xf32, #tpu.memory_space<vmem>>) target_semaphore(%arg14 : memref<!tpu.dma_semaphore, #tpu.memory_space<semaphore_mem>>)
        %dma_start3A_91 = tpu.memref_slice %arg4[%mul3A_82] : memref<100000xf32, #tpu.memory_space<hbm>> -> memref<256xf32, #tpu.memory_space<hbm>>
        %dma_start3A_92 = tpu.memref_slice %arg4[%mul3A_82] : memref<100000xf32, #tpu.memory_space<hbm>> -> memref<256xf32, #tpu.memory_space<hbm>>
        tpu.enqueue_dma source(%dma_start3A_92 : memref<256xf32, #tpu.memory_space<hbm>>) target(%arg8 : memref<256xf32, #tpu.memory_space<vmem>>) target_semaphore(%arg14 : memref<!tpu.dma_semaphore, #tpu.memory_space<semaphore_mem>>)
      } else {
      }
      %add3A_72 = arith.constant 1 : i32
      %add3A_73 = arith.addi %mul3A_29, %add3A_72 : i32
      %lt3A_74 = arith.constant 4 : i32
      %lt3A_75 = arith.cmpi slt, %add3A_73, %lt3A_74 : i32
      %convert_element_type3A_76 = arith.extui %lt3A_75 : i1 to i32
      %cond3A_77 = arith.constant 0 : i32
      %cond3A_78 = arith.cmpi ne, %convert_element_type3A_76, %cond3A_77 : i32
      scf.if %cond3A_78 {
        %mul3A_79 = arith.constant 256 : i32
        %mul3A_80 = arith.muli %add3A_34, %mul3A_79 : i32
        %dma_wait3A_81 = arith.constant 0 : i32
        %dma_wait3A_82 = tpu.memref_slice %arg2[%dma_wait3A_81, %mul3A_80] : memref<64x100000xf32, #tpu.memory_space<hbm>> -> memref<64x256xf32, #tpu.memory_space<hbm>>
        %dma_wait3A_83 = arith.constant 0 : i32
        %dma_wait3A_84 = tpu.memref_slice %arg2[%dma_wait3A_83, %mul3A_80] : memref<64x100000xf32, #tpu.memory_space<hbm>> -> memref<64x256xf32, #tpu.memory_space<hbm>>
        tpu.wait_dma2 semaphore(%arg15 : memref<!tpu.dma_semaphore, #tpu.memory_space<semaphore_mem>>) src(%dma_wait3A_84 : memref<64x256xf32, #tpu.memory_space<hbm>>) dst(%arg10 : memref<64x256xf32, #tpu.memory_space<vmem>>)
        %dma_wait3A_85 = arith.constant 0 : i32
        %dma_wait3A_86 = tpu.memref_slice %arg3[%dma_wait3A_85, %mul3A_80] : memref<64x100000xf32, #tpu.memory_space<hbm>> -> memref<64x256xf32, #tpu.memory_space<hbm>>
        %dma_wait3A_87 = arith.constant 0 : i32
        %dma_wait3A_88 = tpu.memref_slice %arg3[%dma_wait3A_87, %mul3A_80] : memref<64x100000xf32, #tpu.memory_space<hbm>> -> memref<64x256xf32, #tpu.memory_space<hbm>>
        tpu.wait_dma2 semaphore(%arg15 : memref<!tpu.dma_semaphore, #tpu.memory_space<semaphore_mem>>) src(%dma_wait3A_88 : memref<64x256xf32, #tpu.memory_space<hbm>>) dst(%arg11 : memref<64x256xf32, #tpu.memory_space<vmem>>)
        %dma_wait3A_89 = tpu.memref_slice %arg4[%mul3A_80] : memref<100000xf32, #tpu.memory_space<hbm>> -> memref<256xf32, #tpu.memory_space<hbm>>
        %dma_wait3A_90 = tpu.memref_slice %arg4[%mul3A_80] : memref<100000xf32, #tpu.memory_space<hbm>> -> memref<256xf32, #tpu.memory_space<hbm>>
        tpu.wait_dma2 semaphore(%arg15 : memref<!tpu.dma_semaphore, #tpu.memory_space<semaphore_mem>>) src(%dma_wait3A_90 : memref<256xf32, #tpu.memory_space<hbm>>) dst(%arg12 : memref<256xf32, #tpu.memory_space<vmem>>)
        %ge3A_91 = arith.constant 1 : i32
        %ge3A_92 = arith.cmpi sge, %mul3A_29, %ge3A_91 : i32
        %convert_element_type3A_93 = arith.extui %ge3A_92 : i1 to i32
        %cond3A_94 = arith.constant 0 : i32
        %cond3A_95 = arith.cmpi ne, %convert_element_type3A_93, %cond3A_94 : i32
        scf.if %cond3A_95 {
          %sub3A_106 = arith.constant 64 : i32
          %sub3A_107 = arith.subi %add3A_34, %sub3A_106 : i32
          %mul3A_108 = arith.constant 256 : i32
          %mul3A_109 = arith.muli %sub3A_107, %mul3A_108 : i32
          %dma_wait3A_110 = tpu.memref_slice %arg5[%mul3A_109] : memref<32768xf32, #tpu.memory_space<hbm>> -> memref<256xf32, #tpu.memory_space<hbm>>
          %dma_wait3A_111 = tpu.memref_slice %arg5[%mul3A_109] : memref<32768xf32, #tpu.memory_space<hbm>> -> memref<256xf32, #tpu.memory_space<hbm>>
          tpu.wait_dma2 semaphore(%arg17 : memref<!tpu.dma_semaphore, #tpu.memory_space<semaphore_mem>>) src(%arg13 : memref<256xf32, #tpu.memory_space<vmem>>) dst(%dma_wait3A_111 : memref<256xf32, #tpu.memory_space<hbm>>)
        } else {
        }
        %scan3A_96 = arith.constant 0 : i32
        %scan3A_97 = arith.constant 0 : i32
        %scan3A_98 = arith.constant 16 : i32
        %scan3A_99 = arith.addi %scan3A_97, %scan3A_98 : i32
        %scan3A_100 = arith.constant 1 : i32
        scf.for %scan3A_106 = %scan3A_97 to %scan3A_99 step %scan3A_100  : i32 {
          %mul3A_107 = arith.constant 16 : i32
          %mul3A_108 = arith.muli %scan3A_106, %mul3A_107 : i32
          %broadcast_in_dim3A = arith.constant 0.000000e+00 : f32
          %broadcast_in_dim3A_109 = vector.broadcast %broadcast_in_dim3A : f32 to vector<16xf32>
          %scan3A_110 = arith.constant 0 : i32
          %scan3A_111 = arith.constant 4 : i32
          %scan3A_112 = arith.addi %scan3A_110, %scan3A_111 : i32
          %scan3A_113 = arith.constant 1 : i32
          %scan3A_114:4 = scf.for %scan3A_122 = %scan3A_110 to %scan3A_112 step %scan3A_113 iter_args(%scan3A_123 = %broadcast_in_dim3A_109, %scan3A_124 = %broadcast_in_dim3A_109, %scan3A_125 = %broadcast_in_dim3A_109, %scan3A_126 = %broadcast_in_dim3A_109) -> (vector<16xf32>, vector<16xf32>, vector<16xf32>, vector<16xf32>)  : i32 {
            %mul3A_127 = arith.constant 16 : i32
            %mul3A_128 = arith.muli %scan3A_122, %mul3A_127 : i32
            %add3A_129 = arith.constant 0 : i32
            %add3A_130 = arith.addi %mul3A_128, %add3A_129 : i32
            %get3A_131 = arith.index_cast %add3A_130 : i32 to index
            %get3A_132 = arith.index_cast %mul3A_108 : i32 to index
            %get3A_133 = tpu.vector_load %arg10[%get3A_131, %get3A_132] {strides = array<i32>} : memref<64x256xf32, #tpu.memory_space<vmem>>, vector<16xf32>,
            %add3A_134 = arith.constant 0 : i32
            %add3A_135 = arith.addi %mul3A_128, %add3A_134 : i32
            %get3A_136 = arith.index_cast %add3A_135 : i32 to index
            %get3A_137 = arith.index_cast %mul3A_108 : i32 to index
            %get3A_138 = tpu.vector_load %arg11[%get3A_136, %get3A_137] {strides = array<i32>} : memref<64x256xf32, #tpu.memory_space<vmem>>, vector<16xf32>,
            %mul3A_139 = arith.mulf %get3A_133, %get3A_138 : vector<16xf32>
            %add3A_140 = arith.addf %scan3A_123, %mul3A_139 : vector<16xf32>
            %add3A_141 = arith.constant 1 : i32
            %add3A_142 = arith.addi %mul3A_128, %add3A_141 : i32
            %get3A_143 = arith.index_cast %add3A_142 : i32 to index
            %get3A_144 = arith.index_cast %mul3A_108 : i32 to index
            %get3A_145 = tpu.vector_load %arg10[%get3A_143, %get3A_144] {strides = array<i32>} : memref<64x256xf32, #tpu.memory_space<vmem>>, vector<16xf32>,
            %add3A_146 = arith.constant 1 : i32
            %add3A_147 = arith.addi %mul3A_128, %add3A_146 : i32
            %get3A_148 = arith.index_cast %add3A_147 : i32 to index
            %get3A_149 = arith.index_cast %mul3A_108 : i32 to index
            %get3A_150 = tpu.vector_load %arg11[%get3A_148, %get3A_149] {strides = array<i32>} : memref<64x256xf32, #tpu.memory_space<vmem>>, vector<16xf32>,
            %mul3A_151 = arith.mulf %get3A_145, %get3A_150 : vector<16xf32>
            %add3A_152 = arith.addf %scan3A_124, %mul3A_151 : vector<16xf32>
            %add3A_153 = arith.constant 2 : i32
            %add3A_154 = arith.addi %mul3A_128, %add3A_153 : i32
            %get3A_155 = arith.index_cast %add3A_154 : i32 to index
            %get3A_156 = arith.index_cast %mul3A_108 : i32 to index
            %get3A_157 = tpu.vector_load %arg10[%get3A_155, %get3A_156] {strides = array<i32>} : memref<64x256xf32, #tpu.memory_space<vmem>>, vector<16xf32>,
            %add3A_158 = arith.constant 2 : i32
            %add3A_159 = arith.addi %mul3A_128, %add3A_158 : i32
            %get3A_160 = arith.index_cast %add3A_159 : i32 to index
            %get3A_161 = arith.index_cast %mul3A_108 : i32 to index
            %get3A_162 = tpu.vector_load %arg11[%get3A_160, %get3A_161] {strides = array<i32>} : memref<64x256xf32, #tpu.memory_space<vmem>>, vector<16xf32>,
            %mul3A_163 = arith.mulf %get3A_157, %get3A_162 : vector<16xf32>
            %add3A_164 = arith.addf %scan3A_125, %mul3A_163 : vector<16xf32>
            %add3A_165 = arith.constant 3 : i32
            %add3A_166 = arith.addi %mul3A_128, %add3A_165 : i32
            %get3A_167 = arith.index_cast %add3A_166 : i32 to index
            %get3A_168 = arith.index_cast %mul3A_108 : i32 to index
            %get3A_169 = tpu.vector_load %arg10[%get3A_167, %get3A_168] {strides = array<i32>} : memref<64x256xf32, #tpu.memory_space<vmem>>, vector<16xf32>,
            %add3A_170 = arith.constant 3 : i32
            %add3A_171 = arith.addi %mul3A_128, %add3A_170 : i32
            %get3A_172 = arith.index_cast %add3A_171 : i32 to index
            %get3A_173 = arith.index_cast %mul3A_108 : i32 to index
            %get3A_174 = tpu.vector_load %arg11[%get3A_172, %get3A_173] {strides = array<i32>} : memref<64x256xf32, #tpu.memory_space<vmem>>, vector<16xf32>,
            %mul3A_175 = arith.mulf %get3A_169, %get3A_174 : vector<16xf32>
            %add3A_176 = arith.addf %scan3A_126, %mul3A_175 : vector<16xf32>
            %add3A_177 = arith.constant 4 : i32
            %add3A_178 = arith.addi %mul3A_128, %add3A_177 : i32
            %get3A_179 = arith.index_cast %add3A_178 : i32 to index
            %get3A_180 = arith.index_cast %mul3A_108 : i32 to index
            %get3A_181 = tpu.vector_load %arg10[%get3A_179, %get3A_180] {strides = array<i32>} : memref<64x256xf32, #tpu.memory_space<vmem>>, vector<16xf32>,
            %add3A_182 = arith.constant 4 : i32
            %add3A_183 = arith.addi %mul3A_128, %add3A_182 : i32
            %get3A_184 = arith.index_cast %add3A_183 : i32 to index
            %get3A_185 = arith.index_cast %mul3A_108 : i32 to index
            %get3A_186 = tpu.vector_load %arg11[%get3A_184, %get3A_185] {strides = array<i32>} : memref<64x256xf32, #tpu.memory_space<vmem>>, vector<16xf32>,
            %mul3A_187 = arith.mulf %get3A_181, %get3A_186 : vector<16xf32>
            %add3A_188 = arith.addf %add3A_140, %mul3A_187 : vector<16xf32>
            %add3A_189 = arith.constant 5 : i32
            %add3A_190 = arith.addi %mul3A_128, %add3A_189 : i32
            %get3A_191 = arith.index_cast %add3A_190 : i32 to index
            %get3A_192 = arith.index_cast %mul3A_108 : i32 to index
            %get3A_193 = tpu.vector_load %arg10[%get3A_191, %get3A_192] {strides = array<i32>} : memref<64x256xf32, #tpu.memory_space<vmem>>, vector<16xf32>,
            %add3A_194 = arith.constant 5 : i32
            %add3A_195 = arith.addi %mul3A_128, %add3A_194 : i32
            %get3A_196 = arith.index_cast %add3A_195 : i32 to index
            %get3A_197 = arith.index_cast %mul3A_108 : i32 to index
            %get3A_198 = tpu.vector_load %arg11[%get3A_196, %get3A_197] {strides = array<i32>} : memref<64x256xf32, #tpu.memory_space<vmem>>, vector<16xf32>,
            %mul3A_199 = arith.mulf %get3A_193, %get3A_198 : vector<16xf32>
            %add3A_200 = arith.addf %add3A_152, %mul3A_199 : vector<16xf32>
            %add3A_201 = arith.constant 6 : i32
            %add3A_202 = arith.addi %mul3A_128, %add3A_201 : i32
            %get3A_203 = arith.index_cast %add3A_202 : i32 to index
            %get3A_204 = arith.index_cast %mul3A_108 : i32 to index
            %get3A_205 = tpu.vector_load %arg10[%get3A_203, %get3A_204] {strides = array<i32>} : memref<64x256xf32, #tpu.memory_space<vmem>>, vector<16xf32>,
            %add3A_206 = arith.constant 6 : i32
            %add3A_207 = arith.addi %mul3A_128, %add3A_206 : i32
            %get3A_208 = arith.index_cast %add3A_207 : i32 to index
            %get3A_209 = arith.index_cast %mul3A_108 : i32 to index
            %get3A_210 = tpu.vector_load %arg11[%get3A_208, %get3A_209] {strides = array<i32>} : memref<64x256xf32, #tpu.memory_space<vmem>>, vector<16xf32>,
            %mul3A_211 = arith.mulf %get3A_205, %get3A_210 : vector<16xf32>
            %add3A_212 = arith.addf %add3A_164, %mul3A_211 : vector<16xf32>
            %add3A_213 = arith.constant 7 : i32
            %add3A_214 = arith.addi %mul3A_128, %add3A_213 : i32
            %get3A_215 = arith.index_cast %add3A_214 : i32 to index
            %get3A_216 = arith.index_cast %mul3A_108 : i32 to index
            %get3A_217 = tpu.vector_load %arg10[%get3A_215, %get3A_216] {strides = array<i32>} : memref<64x256xf32, #tpu.memory_space<vmem>>, vector<16xf32>,
            %add3A_218 = arith.constant 7 : i32
            %add3A_219 = arith.addi %mul3A_128, %add3A_218 : i32
            %get3A_220 = arith.index_cast %add3A_219 : i32 to index
            %get3A_221 = arith.index_cast %mul3A_108 : i32 to index
            %get3A_222 = tpu.vector_load %arg11[%get3A_220, %get3A_221] {strides = array<i32>} : memref<64x256xf32, #tpu.memory_space<vmem>>, vector<16xf32>,
            %mul3A_223 = arith.mulf %get3A_217, %get3A_222 : vector<16xf32>
            %add3A_224 = arith.addf %add3A_176, %mul3A_223 : vector<16xf32>
            %add3A_225 = arith.constant 8 : i32
            %add3A_226 = arith.addi %mul3A_128, %add3A_225 : i32
            %get3A_227 = arith.index_cast %add3A_226 : i32 to index
            %get3A_228 = arith.index_cast %mul3A_108 : i32 to index
            %get3A_229 = tpu.vector_load %arg10[%get3A_227, %get3A_228] {strides = array<i32>} : memref<64x256xf32, #tpu.memory_space<vmem>>, vector<16xf32>,
            %add3A_230 = arith.constant 8 : i32
            %add3A_231 = arith.addi %mul3A_128, %add3A_230 : i32
            %get3A_232 = arith.index_cast %add3A_231 : i32 to index
            %get3A_233 = arith.index_cast %mul3A_108 : i32 to index
            %get3A_234 = tpu.vector_load %arg11[%get3A_232, %get3A_233] {strides = array<i32>} : memref<64x256xf32, #tpu.memory_space<vmem>>, vector<16xf32>,
            %mul3A_235 = arith.mulf %get3A_229, %get3A_234 : vector<16xf32>
            %add3A_236 = arith.addf %add3A_188, %mul3A_235 : vector<16xf32>
            %add3A_237 = arith.constant 9 : i32
            %add3A_238 = arith.addi %mul3A_128, %add3A_237 : i32
            %get3A_239 = arith.index_cast %add3A_238 : i32 to index
            %get3A_240 = arith.index_cast %mul3A_108 : i32 to index
            %get3A_241 = tpu.vector_load %arg10[%get3A_239, %get3A_240] {strides = array<i32>} : memref<64x256xf32, #tpu.memory_space<vmem>>, vector<16xf32>,
            %add3A_242 = arith.constant 9 : i32
            %add3A_243 = arith.addi %mul3A_128, %add3A_242 : i32
            %get3A_244 = arith.index_cast %add3A_243 : i32 to index
            %get3A_245 = arith.index_cast %mul3A_108 : i32 to index
            %get3A_246 = tpu.vector_load %arg11[%get3A_244, %get3A_245] {strides = array<i32>} : memref<64x256xf32, #tpu.memory_space<vmem>>, vector<16xf32>,
            %mul3A_247 = arith.mulf %get3A_241, %get3A_246 : vector<16xf32>
            %add3A_248 = arith.addf %add3A_200, %mul3A_247 : vector<16xf32>
            %add3A_249 = arith.constant 10 : i32
            %add3A_250 = arith.addi %mul3A_128, %add3A_249 : i32
            %get3A_251 = arith.index_cast %add3A_250 : i32 to index
            %get3A_252 = arith.index_cast %mul3A_108 : i32 to index
            %get3A_253 = tpu.vector_load %arg10[%get3A_251, %get3A_252] {strides = array<i32>} : memref<64x256xf32, #tpu.memory_space<vmem>>, vector<16xf32>,
            %add3A_254 = arith.constant 10 : i32
            %add3A_255 = arith.addi %mul3A_128, %add3A_254 : i32
            %get3A_256 = arith.index_cast %add3A_255 : i32 to index
            %get3A_257 = arith.index_cast %mul3A_108 : i32 to index
            %get3A_258 = tpu.vector_load %arg11[%get3A_256, %get3A_257] {strides = array<i32>} : memref<64x256xf32, #tpu.memory_space<vmem>>, vector<16xf32>,
            %mul3A_259 = arith.mulf %get3A_253, %get3A_258 : vector<16xf32>
            %add3A_260 = arith.addf %add3A_212, %mul3A_259 : vector<16xf32>
            %add3A_261 = arith.constant 11 : i32
            %add3A_262 = arith.addi %mul3A_128, %add3A_261 : i32
            %get3A_263 = arith.index_cast %add3A_262 : i32 to index
            %get3A_264 = arith.index_cast %mul3A_108 : i32 to index
            %get3A_265 = tpu.vector_load %arg10[%get3A_263, %get3A_264] {strides = array<i32>} : memref<64x256xf32, #tpu.memory_space<vmem>>, vector<16xf32>,
            %add3A_266 = arith.constant 11 : i32
            %add3A_267 = arith.addi %mul3A_128, %add3A_266 : i32
            %get3A_268 = arith.index_cast %add3A_267 : i32 to index
            %get3A_269 = arith.index_cast %mul3A_108 : i32 to index
            %get3A_270 = tpu.vector_load %arg11[%get3A_268, %get3A_269] {strides = array<i32>} : memref<64x256xf32, #tpu.memory_space<vmem>>, vector<16xf32>,
            %mul3A_271 = arith.mulf %get3A_265, %get3A_270 : vector<16xf32>
            %add3A_272 = arith.addf %add3A_224, %mul3A_271 : vector<16xf32>
            %add3A_273 = arith.constant 12 : i32
            %add3A_274 = arith.addi %mul3A_128, %add3A_273 : i32
            %get3A_275 = arith.index_cast %add3A_274 : i32 to index
            %get3A_276 = arith.index_cast %mul3A_108 : i32 to index
            %get3A_277 = tpu.vector_load %arg10[%get3A_275, %get3A_276] {strides = array<i32>} : memref<64x256xf32, #tpu.memory_space<vmem>>, vector<16xf32>,
            %add3A_278 = arith.constant 12 : i32
            %add3A_279 = arith.addi %mul3A_128, %add3A_278 : i32
            %get3A_280 = arith.index_cast %add3A_279 : i32 to index
            %get3A_281 = arith.index_cast %mul3A_108 : i32 to index
            %get3A_282 = tpu.vector_load %arg11[%get3A_280, %get3A_281] {strides = array<i32>} : memref<64x256xf32, #tpu.memory_space<vmem>>, vector<16xf32>,
            %mul3A_283 = arith.mulf %get3A_277, %get3A_282 : vector<16xf32>
            %add3A_284 = arith.addf %add3A_236, %mul3A_283 : vector<16xf32>
            %add3A_285 = arith.constant 13 : i32
            %add3A_286 = arith.addi %mul3A_128, %add3A_285 : i32
            %get3A_287 = arith.index_cast %add3A_286 : i32 to index
            %get3A_288 = arith.index_cast %mul3A_108 : i32 to index
            %get3A_289 = tpu.vector_load %arg10[%get3A_287, %get3A_288] {strides = array<i32>} : memref<64x256xf32, #tpu.memory_space<vmem>>, vector<16xf32>,
            %add3A_290 = arith.constant 13 : i32
            %add3A_291 = arith.addi %mul3A_128, %add3A_290 : i32
            %get3A_292 = arith.index_cast %add3A_291 : i32 to index
            %get3A_293 = arith.index_cast %mul3A_108 : i32 to index
            %get3A_294 = tpu.vector_load %arg11[%get3A_292, %get3A_293] {strides = array<i32>} : memref<64x256xf32, #tpu.memory_space<vmem>>, vector<16xf32>,
            %mul3A_295 = arith.mulf %get3A_289, %get3A_294 : vector<16xf32>
            %add3A_296 = arith.addf %add3A_248, %mul3A_295 : vector<16xf32>
            %add3A_297 = arith.constant 14 : i32
            %add3A_298 = arith.addi %mul3A_128, %add3A_297 : i32
            %get3A_299 = arith.index_cast %add3A_298 : i32 to index
            %get3A_300 = arith.index_cast %mul3A_108 : i32 to index
            %get3A_301 = tpu.vector_load %arg10[%get3A_299, %get3A_300] {strides = array<i32>} : memref<64x256xf32, #tpu.memory_space<vmem>>, vector<16xf32>,
            %add3A_302 = arith.constant 14 : i32
            %add3A_303 = arith.addi %mul3A_128, %add3A_302 : i32
            %get3A_304 = arith.index_cast %add3A_303 : i32 to index
            %get3A_305 = arith.index_cast %mul3A_108 : i32 to index
            %get3A_306 = tpu.vector_load %arg11[%get3A_304, %get3A_305] {strides = array<i32>} : memref<64x256xf32, #tpu.memory_space<vmem>>, vector<16xf32>,
            %mul3A_307 = arith.mulf %get3A_301, %get3A_306 : vector<16xf32>
            %add3A_308 = arith.addf %add3A_260, %mul3A_307 : vector<16xf32>
            %add3A_309 = arith.constant 15 : i32
            %add3A_310 = arith.addi %mul3A_128, %add3A_309 : i32
            %get3A_311 = arith.index_cast %add3A_310 : i32 to index
            %get3A_312 = arith.index_cast %mul3A_108 : i32 to index
            %get3A_313 = tpu.vector_load %arg10[%get3A_311, %get3A_312] {strides = array<i32>} : memref<64x256xf32, #tpu.memory_space<vmem>>, vector<16xf32>,
            %add3A_314 = arith.constant 15 : i32
            %add3A_315 = arith.addi %mul3A_128, %add3A_314 : i32
            %get3A_316 = arith.index_cast %add3A_315 : i32 to index
            %get3A_317 = arith.index_cast %mul3A_108 : i32 to index
            %get3A_318 = tpu.vector_load %arg11[%get3A_316, %get3A_317] {strides = array<i32>} : memref<64x256xf32, #tpu.memory_space<vmem>>, vector<16xf32>,
            %mul3A_319 = arith.mulf %get3A_313, %get3A_318 : vector<16xf32>
            %add3A_320 = arith.addf %add3A_272, %mul3A_319 : vector<16xf32>
            scf.yield %add3A_284, %add3A_296, %add3A_308, %add3A_320 : vector<16xf32>, vector<16xf32>, vector<16xf32>, vector<16xf32>
          }
          %scan3A_115 = arith.constant 4 : i32
          %get3A = arith.index_cast %mul3A_108 : i32 to index
          %get3A_116 = tpu.vector_load %arg12[%get3A] {strides = array<i32>} : memref<256xf32, #tpu.memory_space<vmem>>, vector<16xf32>,
          %add3A_117 = arith.addf %scan3A_114#0, %scan3A_114#1 : vector<16xf32>
          %add3A_118 = arith.addf %scan3A_114#2, %scan3A_114#3 : vector<16xf32>
          %add3A_119 = arith.addf %add3A_117, %add3A_118 : vector<16xf32>
          %add3A_120 = arith.addf %get3A_116, %add3A_119 : vector<16xf32>
          %swap3A = arith.index_cast %mul3A_108 : i32 to index
          %swap3A_121 = tpu.vector_load %arg13[%swap3A] {strides = array<i32>} : memref<256xf32, #tpu.memory_space<vmem>>, vector<16xf32>,
          tpu.vector_store %arg13[%swap3A], %add3A_120 {strides = array<i32>} : memref<256xf32, #tpu.memory_space<vmem>>, vector<16xf32>,
        }
        %scan3A_101 = arith.constant 16 : i32
        %mul3A_102 = arith.constant 256 : i32
        %mul3A_103 = arith.muli %add3A_34, %mul3A_102 : i32
        %dma_start3A_104 = tpu.memref_slice %arg5[%mul3A_103] : memref<32768xf32, #tpu.memory_space<hbm>> -> memref<256xf32, #tpu.memory_space<hbm>>
        %dma_start3A_105 = tpu.memref_slice %arg5[%mul3A_103] : memref<32768xf32, #tpu.memory_space<hbm>> -> memref<256xf32, #tpu.memory_space<hbm>>
        tpu.enqueue_dma source(%arg13 : memref<256xf32, #tpu.memory_space<vmem>>) target(%dma_start3A_105 : memref<256xf32, #tpu.memory_space<hbm>>) target_semaphore(%arg17 : memref<!tpu.dma_semaphore, #tpu.memory_space<semaphore_mem>>)
      } else {
      }
    }
    %scan3A_16 = arith.constant 2 : i32
    %add3A_17 = arith.constant 96 : i32
    %add3A_18 = arith.addi %add3A, %add3A_17 : i32
    %mul3A_19 = arith.constant 256 : i32
    %mul3A_20 = arith.muli %add3A_18, %mul3A_19 : i32
    %dma_wait3A = tpu.memref_slice %arg5[%mul3A_20] : memref<32768xf32, #tpu.memory_space<hbm>> -> memref<256xf32, #tpu.memory_space<hbm>>
    %dma_wait3A_21 = tpu.memref_slice %arg5[%mul3A_20] : memref<32768xf32, #tpu.memory_space<hbm>> -> memref<256xf32, #tpu.memory_space<hbm>>
    tpu.wait_dma2 semaphore(%arg17 : memref<!tpu.dma_semaphore, #tpu.memory_space<semaphore_mem>>) src(%arg13 : memref<256xf32, #tpu.memory_space<vmem>>) dst(%dma_wait3A_21 : memref<256xf32, #tpu.memory_space<hbm>>)
    %sub3A = arith.constant 32 : i32
    %sub3A_22 = arith.subi %add3A_18, %sub3A : i32
    %mul3A_23 = arith.constant 256 : i32
    %mul3A_24 = arith.muli %sub3A_22, %mul3A_23 : i32
    %dma_wait3A_25 = tpu.memref_slice %arg5[%mul3A_24] : memref<32768xf32, #tpu.memory_space<hbm>> -> memref<256xf32, #tpu.memory_space<hbm>>
    %dma_wait3A_26 = tpu.memref_slice %arg5[%mul3A_24] : memref<32768xf32, #tpu.memory_space<hbm>> -> memref<256xf32, #tpu.memory_space<hbm>>
    tpu.wait_dma2 semaphore(%arg16 : memref<!tpu.dma_semaphore, #tpu.memory_space<semaphore_mem>>) src(%arg9 : memref<256xf32, #tpu.memory_space<vmem>>) dst(%dma_wait3A_26 : memref<256xf32, #tpu.memory_space<hbm>>)
    return
  }
}

module attributes {stable_mosaic.version = 14 : i64} {
  func.func @_tc_body(%arg0: i32, %arg1: memref<64x16384xf32, #tpu.memory_space<vmem>>, %arg2: memref<64x16384xf32, #tpu.memory_space<vmem>>, %arg3: memref<16384xf32, #tpu.memory_space<vmem>>, %arg4: memref<16384xf32, #tpu.memory_space<vmem>>) attributes {dimension_semantics = [#tpu.dimension_semantics<arbitrary>], iteration_bounds = array<i64: 5>, scalar_prefetch = 0 : i64, scratch_operands = 0 : i64, tpu.core_type = #tpu.core_type<tc>, window_params = [{transform_indices = @transform_0, window_bounds = array<i64: 64, 16384>}, {transform_indices = @transform_1, window_bounds = array<i64: 64, 16384>}, {transform_indices = @transform_2, window_bounds = array<i64: 16384>}, {transform_indices = @transform_3, window_bounds = array<i64: 16384>}]} {
    %get3A = arith.constant 0 : index
    %get3A_0 = vector.load %arg3[%get3A] : memref<16384xf32, #tpu.memory_space<vmem>>, vector<16384xf32>
    %get3A_1 = arith.constant 0 : index
    %get3A_2 = arith.constant 0 : index
    %get3A_3 = vector.load %arg1[%get3A_1, %get3A_2] : memref<64x16384xf32, #tpu.memory_space<vmem>>, vector<64x16384xf32>
    %get3A_4 = arith.constant 0 : index
    %get3A_5 = arith.constant 0 : index
    %get3A_6 = vector.load %arg2[%get3A_4, %get3A_5] : memref<64x16384xf32, #tpu.memory_space<vmem>>, vector<64x16384xf32>
    %mul3A = arith.mulf %get3A_3, %get3A_6 : vector<64x16384xf32>
    %reduce_sum3A = arith.constant dense<0.000000e+00> : vector<16384xf32>
    %reduce_sum3A_7 = vector.multi_reduction <add>, %mul3A, %reduce_sum3A [0] : vector<64x16384xf32> to vector<16384xf32>
    %add3A = arith.addf %get3A_0, %reduce_sum3A_7 : vector<16384xf32>
    %swap3A = arith.constant 0 : index
    %swap3A_8 = vector.load %arg4[%swap3A] : memref<16384xf32, #tpu.memory_space<vmem>>, vector<16384xf32>
    tpu.vector_store %arg4[%swap3A], %add3A {strides = array<i32>} : memref<16384xf32, #tpu.memory_space<vmem>>, vector<16384xf32>,
    return
  }
  func.func @transform_0(%arg0: i32) -> (i32, i32) {
    %add3A = arith.constant 2 : i32
    %add3A_0 = arith.addi %add3A, %arg0 : i32
    %c0_i32 = arith.constant 0 : i32
    %c0_i32_1 = arith.constant 0 : i32
    return %c0_i32, %add3A_0 : i32, i32
  }
  func.func @transform_1(%arg0: i32) -> (i32, i32) {
    %add3A = arith.constant 2 : i32
    %add3A_0 = arith.addi %add3A, %arg0 : i32
    %c0_i32 = arith.constant 0 : i32
    %c0_i32_1 = arith.constant 0 : i32
    return %c0_i32, %add3A_0 : i32, i32
  }
  func.func @transform_2(%arg0: i32) -> i32 {
    %add3A = arith.constant 2 : i32
    %add3A_0 = arith.addi %add3A, %arg0 : i32
    %c0_i32 = arith.constant 0 : i32
    return %add3A_0 : i32
  }
  func.func @transform_3(%arg0: i32) -> i32 {
    %c0_i32 = arith.constant 0 : i32
    return %arg0 : i32
  }
}

</mosaic_0001>

<sc_bundles>
// kernel: kernel.4.cloned.1.call-start
scs
__scs_entry_jumppad:
0x0: {  	(pc) =	sbr.rel $0x88, $3  }
0x1: {  	(tag) =	ssettag $0x0;
	lr =	simm.s32 $0x1  }
0x2: {  	[smem:$0x3F9E] =	sst lr;
	_ =	strace $0xD0000000  }
0x3: {  	_ = 	snop  }
0x4: {  	_ = 	snop  }
0x5: {  	_ = 	snop  }
0x6: {  	_ = 	snop  }
0x7: {  	_ = 	snop  }
__scs_overlays_trampoline_lowered:
0x8: {  	[smem:$0x3FAD] =	sst s0  }
0x9: {  	[smem:$0x3FAE] =	sst s1  }
0xa: {  	[smem:$0x3FAF] =	sst s2  }
0xb: {  	[smem:$0x3FB0] =	sst s3  }
0xc: {  	[smem:$0x3FB1] =	sst s4  }
0xd: {  	[smem:$0x3FB2] =	sst s5  }
0xe: {  	[smem:$0x3FB3] =	sst s6  }
0xf: {  	[smem:$0x3FB4] =	sst s7  }
0x10: {  	[smem:$0x3FB5] =	sst s8  }
0x11: {  	[smem:$0x3FB6] =	sst s9;
	s0 =	simm.s32 @!p0 $0x0  }
0x12: {  	s1 =	sld [smem:$0x3F9C];
	s0 =	simm.s32 @p0 $0x1  }
0x13: {  	[smem:$0x3FB7] =	sst s0;
	s0 =	simm.s32 @!p1 $0x0  }
0x14: {  	s2 =	sld [smem:$0x3F9B];
	s0 =	simm.s32 @p1 $0x1  }
0x15: {  	[smem:$0x3FB8] =	sst s0;
	s0 =	simm.s32 @!p2 $0x0  }
0x16: {  	s3 =	sld [smem:$0x3FDB];
	s0 =	simm.s32 @p2 $0x1  }
0x17: {  	s4 =	simm.s32 $0x1BF5;
	[smem:$0x3FBA] =	sst s0  }
0x18: {  	s0 =	sld [smem:$0x3F9D];
	_ =	swait.ge [sflag:s4], $0x0  }
0x19: {  	s7 =	sld [smem:$0x3F9E]  }
0x1a: {  	s8 =	sadd.s32 $0xFFFFE003, lr  }
0x1b: {  	s9 =	sadd.s32 $0xFFFFFEF7, lr;
	s5 =	simm.s32 $0xFFFFFFFF;
	p2 =	slt.u32 s8, $0xFFFFF086  }
0x1c: {  	p1 =	slt.u32 s9, $0xF7A;
	s5 =	simm.s32 @!p2 $0x0  }
0x1d: {  	s5 =	simm.s32 @p1 $0x1;
	p0 =	seq.s32 s7, s2  }
0x1e: {  	s7 =	smul.u32 @!p0 $0xF7A, s2;
	p2 =	seq.s32 @!p0 s5, $0x0  }
0x1f: {  	s9 =	smul.u32 $0xF7A, s1;
	s8 =	simm.s32 @!p0 $0x1BF5;
	p2 =	por !p2, p0  }
0x20: {  	[sflag:s8] =	ssyncset.s32 @!p0 $0xFFFFF086;
	s6 =	sadd.s32 @!p0 s3, s7;
	s7 =	simm.s32 @!p0 $0x108  }
0x21: {  	s3 =	sadd.s32 s3, s9;
	s6 =	sadd.s32 @!p0 $0x88, s6;
	s7 =	simm.s32 @p2 $0x1082  }
0x22: {  	[simem:s7], [sflag:s8] =	dma.local @!p0 [hbm:s6], $0xF7A  }
0x23: {  	s9 =	sor.u32 $0xD0000000, s2;
	s6 =	simm.s32 $0x108;
	_ =	swait.ge @!p0 [sflag:s8], $0x0  }
0x24: {  	s3 =	sadd.s32 $0x88, s3;
	s6 =	simm.s32 @!p1 $0x1082;
	[sflag:s4] =	ssyncset.s32 $0xFFFFF086  }
0x25: {  	[simem:s6], [sflag:s4] =	dma.local [hbm:s3], $0xF7A  }
0x26: {  	[smem:$0x3F9E] =	sst s1;
	(tag) =	ssettag s2;
	_ =	strace s9  }
0x27: {  	s1 =	sld [smem:$0x3FAE]  }
0x28: {  	s2 =	sld [smem:$0x3FAF]  }
0x29: {  	s4 =	sld [smem:$0x3FB1]  }
0x2a: {  	p0 =	seq.s32 s5, $0x0;
	s5 =	sld [smem:$0x3FB2]  }
0x2b: {  	s6 =	sld [smem:$0x3FB3]  }
0x2c: {  	s7 =	sld [smem:$0x3FB4]  }
0x2d: {  	s3 =	simm.s32 $0x108;
	s8 =	sld [smem:$0x3FB5]  }
0x2e: {  	s3 =	simm.s32 @!p0 $0x1082;
	s9 =	sld [smem:$0x3FB6]  }
0x2f: {  	lr =	sadd.s32 s0, s3;
	s0 =	sld [smem:$0x3FAD]  }
0x30: {  	s3 =	sld [smem:$0x3FB0]  }
0x31: {  	[smem:$0x3FB9] =	sst s10  }
0x32: {  	s10 =	sld [smem:$0x3FB7];
	_ =	sdelay $0x3  }
0x33: {  	p0 =	seq.s32 s10, $0x1;
	s10 =	sld [smem:$0x3FB9];
	_ =	sdelay $0x3  }
0x34: {  	[smem:$0x3FB9] =	sst s10  }
0x35: {  	s10 =	sld [smem:$0x3FB8];
	_ =	sdelay $0x3  }
0x36: {  	p1 =	seq.s32 s10, $0x1;
	s10 =	sld [smem:$0x3FB9];
	_ =	sdelay $0x3  }
0x37: {  	[smem:$0x3FB9] =	sst s10  }
0x38: {  	s10 =	sld [smem:$0x3FBA]  }
0x39: {  	_ = 	snop;
	(pc) =	sbr.ind lr, $3  }
0x3a: {  	_ = 	snop  }
0x3b: {  	_ = 	snop  }
0x3c: {  	p2 =	seq.s32 s10, $0x1;
	s10 =	sld [smem:$0x3FB9]  }
0x3d: {  	_ =	shalt  }
0x3e: {  	_ =	shalt  }
0x3f: {  	_ =	shalt  }
0x40: {  	_ =	shalt  }
0x41: {  	_ =	shalt  }
0x42: {  	_ =	shalt  }
0x43: {  	_ =	shalt  }
0x44: {  	_ =	shalt  }
0x45: {  	_ =	shalt  }
0x46: {  	_ =	shalt  }
0x47: {  	_ =	shalt  }
0x48: {  	_ =	shalt  }
0x49: {  	_ =	shalt  }
0x4a: {  	_ =	shalt  }
0x4b: {  	_ =	shalt  }
0x4c: {  	_ =	shalt  }
0x4d: {  	_ =	shalt  }
0x4e: {  	_ =	shalt  }
0x4f: {  	_ =	shalt  }
0x50: {  	_ =	shalt  }
0x51: {  	_ =	shalt  }
0x52: {  	_ =	shalt  }
0x53: {  	_ =	shalt  }
0x54: {  	_ =	shalt  }
0x55: {  	_ =	shalt  }
0x56: {  	_ =	shalt  }
0x57: {  	_ =	shalt  }
0x58: {  	_ =	shalt  }
0x59: {  	_ =	shalt  }
0x5a: {  	_ =	shalt  }
0x5b: {  	_ =	shalt  }
0x5c: {  	_ =	shalt  }
0x5d: {  	_ =	shalt  }
0x5e: {  	_ =	shalt  }
0x5f: {  	_ =	shalt  }
0x60: {  	_ =	shalt  }
0x61: {  	_ =	shalt  }
0x62: {  	_ =	shalt  }
0x63: {  	_ =	shalt  }
0x64: {  	_ =	shalt  }
0x65: {  	_ =	shalt  }
0x66: {  	_ =	shalt  }
0x67: {  	_ =	shalt  }
0x68: {  	_ =	shalt  }
0x69: {  	_ =	shalt  }
0x6a: {  	_ =	shalt  }
0x6b: {  	_ =	shalt  }
0x6c: {  	_ =	shalt  }
0x6d: {  	_ =	shalt  }
0x6e: {  	_ =	shalt  }
0x6f: {  	_ =	shalt  }
0x70: {  	_ =	shalt  }
0x71: {  	_ =	shalt  }
0x72: {  	_ =	shalt  }
0x73: {  	_ =	shalt  }
0x74: {  	_ =	shalt  }
0x75: {  	_ =	shalt  }
0x76: {  	_ =	shalt  }
0x77: {  	_ =	shalt  }
0x78: {  	_ =	shalt  }
0x79: {  	_ =	shalt  }
0x7a: {  	_ =	shalt  }
0x7b: {  	_ =	shalt  }
0x7c: {  	_ =	shalt  }
0x7d: {  	_ =	shalt  }
0x7e: {  	_ =	shalt  }
0x7f: {  	_ =	shalt  }
0x80: {  	_ =	shalt  }
0x81: {  	_ =	shalt  }
0x82: {  	_ =	shalt  }
0x83: {  	_ =	shalt  }
0x84: {  	_ =	shalt  }
0x85: {  	_ =	shalt  }
0x86: {  	_ =	shalt  }
0x87: {  	_ =	shalt  }
.Lfunc_end0:
.L_simem_size_0:
called_computation_lowered:
.L_overlay_start_0:
0x88: {  	s2 =	sld [smem:$0x3FD9]  }
0x89: {  	s3 =	sld [smem:$0x3FFE];
	_ =	sdelay $0x1  }
0x8a: {  	s1 =	srdreg.scid  }
0x8b: {  	s0 =	sand.u32 $0x1, s1  }
0x8c: {  	s17 =	sshll.u32 s0, $0xA;
	s2 =	sadd.s32 s3, s2  }
0x8d: {  	s2 =	sadd.s32 s2, s17  }
0x8e: {  	[smem:$0x3FC5] =	sst s2  }
0x8f: {  	_ = 	snop  }
0x90: {  	s2 =	sld [smem:$0x3FC9]  }
0x91: {  	s18 =	sld [smem:$0x3FC8]  }
0x92: {  	s4 =	sld [smem:$0x3FC7];
	(tm) =	ssettm $0x1  }
0x93: {  	s5 =	sld [smem:$0x3FFB];
	_ =	sdelay $0x3  }
0x94: {  	_ =	strace s5  }
0x95: {  	s5 =	sld [smem:$0x3FFC];
	_ =	sdelay $0x3  }
0x96: {  	_ =	strace s5  }
0x97: {  	s5 =	sld [smem:$0x3FFD];
	_ =	sdelay $0x3  }
0x98: {  	_ =	strace s5  }
0x99: {  	_ =	strace $0x8FFFFFFF  }
0x9a: {  	s19 =	sld [smem:$0x3FDB];
	_ =	sdelay $0x1  }
0x9b: {  	s6 =	simm.s32 $_scs_section_size  }
0x9c: {  	s7 =	simm.s32 $_size__tile_overlayer_lowered;
	s8 =	simm.s32 $_tile_overlayer_lowered  }
0x9d: {  	s22 =	simm.s32 $0x1BFF;
	s21 =	sshll.u32 s8, $0x1;
	s5 =	sadd.s32 s6, s19  }
0x9e: {  	s9 =	simm.s32 $0x0;
	s20 =	sshll.u32 s7, $0x1;
	s7 =	sadd.s32 s21, s5  }
0x9f: {  	[timem:s9], [sflag:s22] =	dma.local [hbm:s7], s20  }
0xa0: {  	_ =	swait.ge [sflag:s22], s20  }
0xa1: {  	s6 =	ssub.s32 $0x0, s20;
	[sflag:s22] =	ssyncset.done $0x0  }
0xa2: {  	[sflag:s22] =	ssyncadd.s32 s6;
	_ =	sdelay $0x1  }
0xa3: {  	s23 =	simm.s32 $0x1B8B  }
0xa4: {  	_ =	swait.ge [sflag:s23], $0x1  }
0xa5: {  	[sflag:s23] =	ssyncset.done $0x0  }
0xa6: {  	s25 =	simm.s32 $0x1B8E;
	s24 =	sld [smem:$0x3FFE];
	[sflag:s23] =	ssyncadd.s32 $0xFFFFFFFF  }
0xa7: {  	s26 =	simm.s32 $execute0_lowered;
	[smem:$0x3FD2] =	sst s25  }
0xa8: {  	s7 =	sshll.u32 s26, $0x1;
	_ =	strace $0x80000046;
	[dreg:$0x1] =	wrdreg $0xFFFFFFFF  }
0xa9: {  	s28 =	simm.s32 $_size_execute0_lowered;
	s5 =	sadd.s32 s5, s7;
	[dreg:$0x0] =	wrdreg $0x0  }
0xaa: {  	s7 =	sshll.u32 s28, $0x1;
	[dreg:$0x2] =	wrdreg s5  }
0xab: {  	[dreg:$0x3] =	wrdreg s7  }
0xac: {  	[dreg:$0x4] =	wrdreg $0xC0  }
0xad: {  	_ =	task [dreg:s9], $0x5FFFF  }
0xae: {  	[dreg:$0x1] =	wrdreg $0xFFFFFFFF  }
0xaf: {  	[dreg:$0x0] =	wrdreg $0x60  }
0xb0: {  	[dreg:$0x2] =	wrdreg s2  }
0xb1: {  	[dreg:$0x3] =	wrdreg s18  }
0xb2: {  	[dreg:$0x4] =	wrdreg s4  }
0xb3: {  	[dreg:$0x5] =	wrdreg s24  }
0xb4: {  	[dreg:$0x6] =	wrdreg $0x9  }
0xb5: {  	_ =	task.clear_ibuf [dreg:s9], $0x7FFFF;
	_ =	strace $0x90000046  }
0xb6: {  	s29 =	simm.s32 $0x9;
	_ =	strace $0x80000048  }
0xb7: {  	_ =	swait.ge [sflag:s29], $0x1  }
0xb8: {  	[sflag:s29] =	ssyncadd.s32 $0xFFFFFFFF  }
0xb9: {  	_ =	strace $0x90000048  }
0xba: {  	_ =	sfence  }
0xbb: {  	s30 =	sld [smem:$0x0];
	_ =	sdelay $0x2  }
0xbc: {  	s31 =	sshll.u32 s1, $0xD;
	s1 =	sshrl.u32 s1, $0x2  }
0xbd: {  	s3 =	sand.u32 $0x4000, s31;
	s1 =	sadd.s32 s1, s30  }
0xbe: {  	s0 =	sor.u32 s3, s0;
	s1 =	sshll.u32 s1, $0x11  }
0xbf: {  	s0 =	sor.u32 s1, s0  }
0xc0: {  	s0 =	sadd.s32 $0x8F2B, s0  }
0xc1: {  	[sflag:s0] =	ssyncadd.remote.s32 $0x1  }
0xc2: {  	_ =	sfence.sel $0xFFFF  }
0xc3: {  	[dreg:$0x0] =	wrdreg $0xFFFFFFFF;
	(pc) =	sbr.abs _section_cstart, $3  }
0xc4: {  	[dreg:$0x1] =	wrdreg $0xFFFFFFFF  }
0xc5: {  	_ =	task.clear_ibuf [dreg:s9], $0x2FFFF;
	_ =	strace $0x9FFFFFFF  }
0xc6: {  	(tm) =	ssettm $0x7FFFFFFF  }
0xc7: {  	_ =	shalt  }
tec
execute0_lowered:
.L_overlay_start_1:
0x0: {  	(tag) =	ssettag $0x1  }
0x1: {  	s2 =	rddreg [dreg:$0x0]  }
0x2: {  	s3 =	rddreg [dreg:$0x1]  }
0x3: {  	s9 =	rddreg [dreg:$0x2]  }
0x4: {  	s0 =	rddreg [dreg:$0x3];
	s5 =	simm.s32 $0x0  }
0x5: {  	s1 =	srdreg.scid;
	s4 =	stileid.u32;
	s15 =	simm.s32 $0x800  }
0x6: {  	s16 =	simm.s32 $0xC3800;
	s19 =	simm.s32 $0x8200;
	s20 =	simm.s32 $0xC200  }
0x7: {  	s21 =	simm.s32 $0x10200;
	s22 =	simm.s32 $0x1;
	s23 =	simm.s32 $0x8100  }
0x8: {  	s24 =	simm.s32 $0x10300;
	s1 =	sand.u32 $0x1, s1;
	s4 =	sshll.u32 s4, $0x1  }
0x9: {  	[smem:$0x7FF] =	sst s5;
	s7 =	sadd.s32 $0x600, s0;
	s6 =	sor.u32 s1, s4  }
0xa: {  	_ =	strace $0x80000047;
	s8 =	ssub.s32 $0x2, s1;
	s1 =	sshll.u32 s6, $0x8  }
0xb: {  	s28 =	sshrl.u32 s8, $0x1;
	s30 =	sshll.u32 s6, $0x5;
	s29 =	sadd.s32 s2, s1  }
0xc: {  	s0 =	ssub.s32 s8, s28;
	s31 =	sadd.s32 s3, s1;
	[dreg:$0x5] =	wrdreg s29  }
0xd: {  	s4 =	sadd.s32 s9, s30;
	s1 =	sor.u32 $0x4000, s1;
	[dreg:$0x6] =	wrdreg s31  }
0xe: {  	[dreg:$0x7] =	wrdreg s4;
	s11 =	sadd.s32 s2, s1;
	s12 =	sadd.s32 s3, s1  }
0xf: {  	s1 =	sshrl.u32 s1, $0x3;
	s3 =	smov.u32 s9;
	s0 =	smax.u32 s0, $0x1  }
0x10: {  	s2 =	simm.s32 $0x0;
	s13 =	sadd.s32 s9, s1;
	[dreg:$0x8] =	wrdreg s0  }
.LBB2_1:
0x11: {  	[dreg:$0x9] =	wrdreg s2  }
0x12: {  	s0 =	rddreg [dreg:$0x5]  }
0x13: {  	s29 =	rddreg [dreg:$0x6]  }
0x14: {  	[tilespmem:s5], [sflag:$0x1] =	stream.strided.gather [hbm4b:s0+s15], $0x4000, s16, s15, $0x38;
	[tilespmem:$0x10400] =	vst v63  }
0x15: {  	s1 =	simm.s32 $0x4000;
	s30 =	rddreg [dreg:$0x7]  }
0x16: {  	[tilespmem:s1], [sflag:$0x1] =	stream.strided.gather [hbm4b:s29+s15], $0x4000, s16, s15, $0x38;
	[tilespmem:$0x10400] =	vst v63  }
0x17: {  	s31 =	simm.s32 $0x8000;
	p1 =	por $0x1, $0x1;
	s0 =	simm.s32 $0x0  }
0x18: {  	[tilespmem:s31], [sflag:$0x1] =	stream.linear.gather [hbm4b:s30+s5], $0x100, $0x38;
	[tilespmem:$0x10400] =	vst v63  }
.LBB2_2:
0x19: {  	s30 =	sor.u32 s6, s0  }
0x1a: {  	s0 =	sor.u32 $0x20, s30  }
0x1b: {  	s1 =	sshll.u32 s0, $0x8  }
0x1c: {  	s2 =	rddreg [dreg:$0x0];
	s1 =	sand.u32 $0x1FFFFF00, s1  }
0x1d: {  	s28 =	rddreg [dreg:$0x1];
	s0 =	sshll.u32 s0, $0x5;
	s4 =	sadd.s32 s2, s1  }
0x1e: {  	[tilespmem:s19], [sflag:$0x2] =	stream.strided.gather [hbm4b:s4+s15], $0x4000, s16, s15, $0x38;
	[tilespmem:$0x10400] =	vst v63  }
0x1f: {  	s29 =	sand.u32 $0x1FFFFFE0, s0;
	s1 =	sadd.s32 s28, s1  }
0x20: {  	[tilespmem:s20], [sflag:$0x2] =	stream.strided.gather [hbm4b:s1+s15], $0x4000, s16, s15, $0x38;
	[tilespmem:$0x10400] =	vst v63  }
0x21: {  	s0 =	sadd.s32 s3, s29  }
0x22: {  	[tilespmem:s21], [sflag:$0x2] =	stream.linear.gather [hbm4b:s0+s5], $0x100, $0x38;
	[tilespmem:$0x10400] =	vst v63  }
0x23: {  	_ =	swait.ge [sflag:s22], $0x4000  }
0x24: {  	[sflag:s22] =	ssyncset.done $0x0  }
0x25: {  	[sflag:s22] =	ssyncadd.s32 $0xFFFFC000  }
0x26: {  	_ =	swait.ge [sflag:s22], $0x4000  }
0x27: {  	[sflag:s22] =	ssyncset.done $0x0  }
0x28: {  	[sflag:s22] =	ssyncadd.s32 $0xFFFFC000  }
0x29: {  	_ =	swait.ge [sflag:s22], $0x100  }
0x2a: {  	[sflag:s22] =	ssyncset.done $0x0  }
0x2b: {  	s0 =	simm.s32 @!p1 $0x3;
	[sflag:s22] =	ssyncadd.s32 $0xFFFFFF00  }
0x2c: {  	p0 =	por p1, p1;
	_ =	swait.ge @!p1 [sflag:s0], $0x100  }
0x2d: {  	s31 =	simm.s32 $0x0;
	s17 =	simm.s32 $0x0;
	[sflag:s0] =	ssyncset.done @!p1 $0x0  }
0x2e: {  	s4 =	simm.s32 $0x0;
	[sflag:s0] =	ssyncadd.s32 @!p1 $0xFFFFFF00;
	s0 =	simm.s32 $0x0  }
.LBB2_3:
0x2f: {  	s25 =	sand.u32 $0xFFFFFC00, s0  }
0x30: {  	s10 =	sadd.s32 s25, s4  }
0x31: {  	s28 =	sadd.s32 $0x0, s10  }
0x32: {  	s26 =	sor.u32 $0xA80, s28  }
0x33: {  	v0 =	vld [tilespmem:s26+$0x0]  }
0x34: {  	s14 =	sor.u32 $0x880, s28;
	v2 =	vld [tilespmem:s26+$0x4000]  }
0x35: {  	v7 =	vld [tilespmem:s14+$0x0]  }
0x36: {  	s1 =	sshll.u32 s0, $0x2;
	s8 =	sand.u32 $0x7, s31;
	s2 =	sor.u32 $0x280, s28;
	v12 =	vld [tilespmem:s14+$0x4000]  }
0x37: {  	s1 =	sand.u32 $0xFFFFF000, s1;
	s8 =	sshll.u32 s8, $0x6;
	v24 =	vld [tilespmem:s2+$0x0]  }
0x38: {  	s1 =	sor.u32 s8, s1;
	s25 =	sor.u32 $0x80, s28;
	v25 =	vld [tilespmem:s2+$0x4000]  }
0x39: {  	s1 =	sshrl.u32 s1, $0x2;
	v26 =	vld [tilespmem:s25+$0x0]  }
0x3a: {  	s8 =	sadd.s32 $0x800, s1;
	v27 =	vld [tilespmem:s25+$0x4000]  }
0x3b: {  	s9 =	sadd.s32 $0x4800, s1;
	v1 =	vld [tilespmem:s8+$0x200]  }
0x3c: {  	v3 =	vld [tilespmem:s9+$0x200]  }
0x3d: {  	v4 =	vld [tilespmem:s8+$0x300]  }
0x3e: {  	v5 =	vld [tilespmem:s9+$0x300]  }
0x3f: {  	v6 =	vld [tilespmem:s8+$0x0]  }
0x40: {  	v11 =	vld [tilespmem:s9+$0x0]  }
0x41: {  	v13 =	vld [tilespmem:s8+$0x100]  }
0x42: {  	v16 =	vld [tilespmem:s9+$0x100]  }
0x43: {  	v15 =	vld [tilespmem:s8+$0xFFFFFA00]  }
0x44: {  	v17 =	vld [tilespmem:s9+$0xFFFFFA00]  }
0x45: {  	v18 =	vld [tilespmem:s8+$0xFFFFFB00]  }
0x46: {  	v21 =	vld [tilespmem:s9+$0xFFFFFB00]  }
0x47: {  	v19 =	vld [tilespmem:s8+$0xFFFFF800]  }
0x48: {  	v23 =	vld [tilespmem:s9+$0xFFFFF800]  }
0x49: {  	s18 =	sshll.u32 s17, $0x4;
	v8 =	vimm.f32 $0.0e+00;
	s26 =	sshll.u32 s17, $0x7;
	s1 =	sor.u32 $0x180, s28;
	v20 =	vld [tilespmem:s8+$0xFFFFF900]  }
0x4a: {  	v14 =	vimm.f32 $0.0e+00;
	v9 =	vimm.f32 $0.0e+00;
	v10 =	vimm.f32 $0.0e+00;
	s25 =	simm.s32 $0x0;
	v22 =	vld [tilespmem:s9+$0xFFFFF900];
	s14 =	sor.u32 s26, s18;
	s26 =	simm.s32 $0x1000  }
.LBB2_4:
0x4b: {  	p1 =	sne.s32 s26, $0x3000;
	v28 =	vld [tilespmem:s1+$0x0];
	s2 =	sor.u32 s25, s14;
	s25 =	smov.u32 s26  }
0x4c: {  	v29 =	vld [tilespmem:s1+$0x4000];
	s1 =	sor.u32 $0x380, s2  }
0x4d: {  	v31 =	vmul.f32 v3, v1;
	v32 =	vmul.f32 v5, v4;
	v30 =	vld [tilespmem:s1+$0x0]  }
0x4e: {  	v6 =	vmul.f32 v11, v6;
	v11 =	vmul.f32 v16, v13;
	v3 =	vld [tilespmem:s1+$0x4000];
	s1 =	sor.u32 $0x980, s28  }
0x4f: {  	v4 =	vmul.f32 v17, v15;
	v5 =	vmul.f32 v21, v18;
	v13 =	vld [tilespmem:s1+$0x0]  }
0x50: {  	v1 =	vmul.f32 v23, v19;
	v15 =	vmul.f32 v27, v26;
	v16 =	vld [tilespmem:s1+$0x4000];
	s1 =	sor.u32 $0xB80, s2  }
0x51: {  	v17 =	vmul.f32 v22, v20;
	v18 =	vmul.f32 v29, v28;
	v19 =	vld [tilespmem:s1+$0x0]  }
0x52: {  	s8 =	sadd.s32 $0x1000, s8;
	v8 =	vadd.f32 v1, v8;
	v14 =	vadd.f32 v15, v14;
	v15 =	vmul.f32 v25, v24;
	v20 =	vld [tilespmem:s1+$0x4000]  }
0x53: {  	s9 =	sadd.s32 $0x1000, s9;
	v9 =	vadd.f32 v17, v9;
	v1 =	vld [tilespmem:s8+$0x200];
	v10 =	vadd.f32 v18, v10;
	v17 =	vmul.f32 v3, v30  }
0x54: {  	v7 =	vmul.f32 v12, v7;
	v8 =	vadd.f32 v4, v8;
	v14 =	vadd.f32 v15, v14;
	v3 =	vld [tilespmem:s9+$0x200]  }
0x55: {  	v9 =	vadd.f32 v5, v9;
	v4 =	vld [tilespmem:s8+$0x300];
	v10 =	vadd.f32 v17, v10;
	v12 =	vmul.f32 v16, v13  }
0x56: {  	v0 =	vmul.f32 v2, v0;
	v8 =	vadd.f32 v6, v8;
	v7 =	vadd.f32 v7, v14;
	v5 =	vld [tilespmem:s9+$0x300]  }
0x57: {  	v2 =	vadd.f32 v11, v9;
	v6 =	vld [tilespmem:s8+$0x0];
	v10 =	vadd.f32 v12, v10;
	v12 =	vmul.f32 v20, v19  }
0x58: {  	v8 =	vadd.f32 v31, v8;
	v14 =	vadd.f32 v0, v7;
	v11 =	vld [tilespmem:s9+$0x0]  }
0x59: {  	v9 =	vadd.f32 v32, v2;
	v13 =	vld [tilespmem:s8+$0x100];
	v10 =	vadd.f32 v12, v10  }
0x5a: {  	v16 =	vld [tilespmem:s9+$0x100]  }
0x5b: {  	v15 =	vld [tilespmem:s8+$0xFFFFFA00]  }
0x5c: {  	v17 =	vld [tilespmem:s9+$0xFFFFFA00]  }
0x5d: {  	v18 =	vld [tilespmem:s8+$0xFFFFFB00]  }
0x5e: {  	v21 =	vld [tilespmem:s9+$0xFFFFFB00]  }
0x5f: {  	v19 =	vld [tilespmem:s8+$0xFFFFF800]  }
0x60: {  	v23 =	vld [tilespmem:s9+$0xFFFFF800]  }
0x61: {  	s28 =	sadd.s32 s26, s10;
	v20 =	vld [tilespmem:s8+$0xFFFFF900]  }
0x62: {  	s1 =	sor.u32 $0xA80, s28;
	v22 =	vld [tilespmem:s9+$0xFFFFF900]  }
0x63: {  	v0 =	vld [tilespmem:s1+$0x0]  }
0x64: {  	s2 =	sor.u32 $0x880, s28;
	v2 =	vld [tilespmem:s1+$0x4000]  }
0x65: {  	v7 =	vld [tilespmem:s2+$0x0]  }
.Ltmp0:
0x66: {  	s1 =	sor.u32 $0x280, s28;
	v12 =	vld [tilespmem:s2+$0x4000];
	(pc) =	sbr.rel @p1 .LBB2_4-.Ltmp0, $4  }
0x67: {  	v24 =	vld [tilespmem:s1+$0x0]  }
0x68: {  	s2 =	sor.u32 $0x80, s28;
	v25 =	vld [tilespmem:s1+$0x4000]  }
0x69: {  	v26 =	vld [tilespmem:s2+$0x0]  }
0x6a: {  	s26 =	sadd.s32 $0x1000, s26;
	s1 =	sor.u32 $0x180, s28;
	v27 =	vld [tilespmem:s2+$0x4000]  }
0x6b: {  	v28 =	vld [tilespmem:s1+$0x0];
	s2 =	sor.u32 s25, s14  }
0x6c: {  	v29 =	vld [tilespmem:s1+$0x4000];
	s25 =	sor.u32 $0x380, s2  }
0x6d: {  	v1 =	vmul.f32 v3, v1;
	v42 =	vmul.f32 v5, v4;
	v30 =	vld [tilespmem:s25+$0x0]  }
0x6e: {  	v44 =	vmul.f32 v11, v6;
	v45 =	vmul.f32 v16, v13;
	s26 =	sor.u32 $0x980, s28;
	v43 =	vld [tilespmem:s25+$0x4000]  }
0x6f: {  	v46 =	vmul.f32 v17, v15;
	v47 =	vmul.f32 v21, v18;
	v48 =	vld [tilespmem:s26+$0x0]  }
0x70: {  	v49 =	vmul.f32 v23, v19;
	v52 =	vmul.f32 v22, v20;
	v51 =	vld [tilespmem:s26+$0x4000];
	s28 =	sor.u32 $0xB80, s2  }
0x71: {  	v54 =	vld [tilespmem:s28+$0x0];
	v50 =	vmul.f32 v27, v26;
	v53 =	vmul.f32 v29, v28  }
0x72: {  	v8 =	vadd.f32 v49, v8;
	v55 =	vmul.f32 v25, v24;
	v56 =	vld [tilespmem:s28+$0x4000];
	v9 =	vadd.f32 v52, v9  }
0x73: {  	v14 =	vadd.f32 v50, v14;
	v10 =	vadd.f32 v53, v10;
	v4 =	vmul.f32 v43, v30  }
0x74: {  	v7 =	vmul.f32 v12, v7;
	v8 =	vadd.f32 v46, v8;
	v9 =	vadd.f32 v47, v9  }
0x75: {  	v58 =	vmul.f32 v51, v48;
	v57 =	vadd.f32 v55, v14;
	v4 =	vadd.f32 v4, v10  }
0x76: {  	v0 =	vmul.f32 v2, v0;
	v5 =	vadd.f32 v44, v8;
	v59 =	vadd.f32 v45, v9  }
0x77: {  	v60 =	vmul.f32 v56, v54;
	v7 =	vadd.f32 v7, v57;
	v4 =	vadd.f32 v58, v4  }
0x78: {  	v1 =	vadd.f32 v1, v5;
	v2 =	vadd.f32 v42, v59  }
0x79: {  	v0 =	vadd.f32 v0, v7;
	v61 =	vadd.f32 v60, v4  }
0x7a: {  	v62 =	vld [tilespmem:s18+$0x8000]  }
0x7b: {  	s17 =	sadd.s32 $0x1, s17;
	v0 =	vadd.f32 v0, v1;
	v63 =	vadd.f32 v61, v2  }
0x7c: {  	p1 =	sne.s32 s17, $0x10  }
.Ltmp1:
0x7d: {  	v0 =	vadd.f32 v63, v0;
	(pc) =	sbr.rel @p1 .LBB2_3-.Ltmp1, $3  }
0x7e: {  	_ = 	snop  }
0x7f: {  	v0 =	vadd.f32 v62, v0;
	_ =	sdelay $0x1  }
0x80: {  	s4 =	sadd.s32 $0x10, s4;
	s0 =	sadd.s32 $0x80, s0;
	s31 =	sadd.s32 $0x1, s31;
	[tilespmem:s18+$0x8100] =	vst v0  }
0x81: {  	s0 =	sshll.u32 s30, $0x5  }
0x82: {  	s0 =	sadd.s32 s7, s0  }
0x83: {  	[hbm4b:s0+s5] =	stream.linear.scatter [tilespmem:s23], [sflag:$0x3], $0x100, $0x38;
	[tilespmem:$0x10400] =	vst v63  }
0x84: {  	s0 =	simm.s32 @!p0 $0x2  }
0x85: {  	_ =	swait.ge @!p0 [sflag:s0], $0x4000  }
0x86: {  	[sflag:s0] =	ssyncset.done @!p0 $0x0  }
0x87: {  	[sflag:s0] =	ssyncadd.s32 @!p0 $0xFFFFC000  }
0x88: {  	_ =	swait.ge @!p0 [sflag:s0], $0x4000  }
0x89: {  	[sflag:s0] =	ssyncset.done @!p0 $0x0  }
0x8a: {  	[sflag:s0] =	ssyncadd.s32 @!p0 $0xFFFFC000  }
0x8b: {  	_ =	swait.ge @!p0 [sflag:s0], $0x100  }
0x8c: {  	s1 =	simm.s32 @p0 $0xC3800;
	[sflag:s0] =	ssyncset.done @!p0 $0x0  }
0x8d: {  	s2 =	simm.s32 @p0 $0x0;
	[sflag:s0] =	ssyncadd.s32 @!p0 $0xFFFFFF00;
	s0 =	simm.s32 @p0 $0x800  }
0x8e: {  	[tilespmem:s2], [sflag:$0x1] =	stream.strided.gather @p0 [hbm4b:s11+s0], $0x4000, s1, s0, $0x38;
	[tilespmem:$0x10400] =	vst v63  }
0x8f: {  	s4 =	simm.s32 @p0 $0x4000  }
0x90: {  	[tilespmem:s4], [sflag:$0x1] =	stream.strided.gather @p0 [hbm4b:s12+s0], $0x4000, s1, s0, $0x38;
	[tilespmem:$0x10400] =	vst v63  }
0x91: {  	s0 =	simm.s32 @p0 $0x8000  }
0x92: {  	[tilespmem:s0], [sflag:$0x1] =	stream.linear.gather @p0 [hbm4b:s13+s2], $0x100, $0x38;
	[tilespmem:$0x10400] =	vst v63  }
0x93: {  	s0 =	simm.s32 @p0 $0x2  }
0x94: {  	_ =	swait.ge @p0 [sflag:s0], $0x4000  }
0x95: {  	[sflag:s0] =	ssyncset.done @p0 $0x0  }
0x96: {  	[sflag:s0] =	ssyncadd.s32 @p0 $0xFFFFC000  }
0x97: {  	_ =	swait.ge @p0 [sflag:s0], $0x4000  }
0x98: {  	s1 =	simm.s32 @!p0 $0x4;
	[sflag:s0] =	ssyncset.done @p0 $0x0  }
0x99: {  	s1 =	simm.s32 @p0 $0x2;
	[sflag:s0] =	ssyncadd.s32 @p0 $0xFFFFC000  }
0x9a: {  	_ =	swait.ge [sflag:s1], $0x100  }
0x9b: {  	s30 =	simm.s32 $0x0;
	s17 =	simm.s32 $0x0;
	[sflag:s1] =	ssyncset.done $0x0  }
0x9c: {  	s4 =	simm.s32 $0x0;
	s0 =	simm.s32 $0x0;
	[sflag:s1] =	ssyncadd.s32 $0xFFFFFF00  }
.LBB2_7:
0x9d: {  	s14 =	sand.u32 $0xFFFFFC00, s0  }
0x9e: {  	s10 =	sadd.s32 s14, s4  }
0x9f: {  	s28 =	sadd.s32 $0x0, s10  }
0xa0: {  	s18 =	sor.u32 $0xA80, s28  }
0xa1: {  	v0 =	vld [tilespmem:s18+$0x8200]  }
0xa2: {  	s1 =	sshll.u32 s0, $0x2;
	s2 =	sand.u32 $0x7, s30;
	s25 =	sor.u32 $0x880, s28;
	v2 =	vld [tilespmem:s18+$0xC200]  }
0xa3: {  	s1 =	sand.u32 $0xFFFFF000, s1;
	s2 =	sshll.u32 s2, $0x6;
	v7 =	vld [tilespmem:s25+$0x8200]  }
0xa4: {  	s1 =	sor.u32 s2, s1;
	s26 =	sor.u32 $0x280, s28;
	v12 =	vld [tilespmem:s25+$0xC200]  }
0xa5: {  	s1 =	sshrl.u32 s1, $0x2;
	v24 =	vld [tilespmem:s26+$0x8200]  }
0xa6: {  	s8 =	sadd.s32 $0x8A00, s1;
	v25 =	vld [tilespmem:s26+$0xC200]  }
0xa7: {  	s9 =	sadd.s32 $0xCA00, s1;
	v1 =	vld [tilespmem:s8+$0x200]  }
0xa8: {  	v3 =	vld [tilespmem:s9+$0x200]  }
0xa9: {  	v4 =	vld [tilespmem:s8+$0x300]  }
0xaa: {  	v5 =	vld [tilespmem:s9+$0x300]  }
0xab: {  	v6 =	vld [tilespmem:s8+$0x0]  }
0xac: {  	v11 =	vld [tilespmem:s9+$0x0]  }
0xad: {  	v13 =	vld [tilespmem:s8+$0x100]  }
0xae: {  	v16 =	vld [tilespmem:s9+$0x100]  }
0xaf: {  	v15 =	vld [tilespmem:s8+$0xFFFFFA00]  }
0xb0: {  	v17 =	vld [tilespmem:s9+$0xFFFFFA00]  }
0xb1: {  	v18 =	vld [tilespmem:s8+$0xFFFFFB00]  }
0xb2: {  	v21 =	vld [tilespmem:s9+$0xFFFFFB00]  }
0xb3: {  	v19 =	vld [tilespmem:s8+$0xFFFFF800]  }
0xb4: {  	v23 =	vld [tilespmem:s9+$0xFFFFF800]  }
0xb5: {  	v20 =	vld [tilespmem:s8+$0xFFFFF900]  }
0xb6: {  	s25 =	sor.u32 $0x80, s28;
	v22 =	vld [tilespmem:s9+$0xFFFFF900]  }
0xb7: {  	s31 =	sshll.u32 s17, $0x7;
	v8 =	vimm.f32 $0.0e+00;
	s18 =	sshll.u32 s17, $0x4;
	s1 =	sor.u32 $0x180, s28;
	v26 =	vld [tilespmem:s25+$0x8200]  }
0xb8: {  	v14 =	vimm.f32 $0.0e+00;
	v9 =	vimm.f32 $0.0e+00;
	v10 =	vimm.f32 $0.0e+00;
	s26 =	simm.s32 $0x1000;
	s14 =	sor.u32 s31, s18;
	v27 =	vld [tilespmem:s25+$0xC200];
	s25 =	simm.s32 $0x0  }
.LBB2_8:
0xb9: {  	p1 =	sne.s32 s26, $0x3000;
	v28 =	vld [tilespmem:s1+$0x8200];
	s2 =	sor.u32 s25, s14;
	s25 =	smov.u32 s26  }
0xba: {  	v29 =	vld [tilespmem:s1+$0xC200];
	s1 =	sor.u32 $0x380, s2  }
0xbb: {  	v31 =	vmul.f32 v3, v1;
	v32 =	vmul.f32 v5, v4;
	v30 =	vld [tilespmem:s1+$0x8200]  }
0xbc: {  	v6 =	vmul.f32 v11, v6;
	v11 =	vmul.f32 v16, v13;
	v3 =	vld [tilespmem:s1+$0xC200];
	s1 =	sor.u32 $0x980, s28  }
0xbd: {  	v4 =	vmul.f32 v17, v15;
	v5 =	vmul.f32 v21, v18;
	v13 =	vld [tilespmem:s1+$0x8200]  }
0xbe: {  	v1 =	vmul.f32 v23, v19;
	v15 =	vmul.f32 v27, v26;
	v16 =	vld [tilespmem:s1+$0xC200];
	s1 =	sor.u32 $0xB80, s2  }
0xbf: {  	v17 =	vmul.f32 v22, v20;
	v18 =	vmul.f32 v29, v28;
	v19 =	vld [tilespmem:s1+$0x8200]  }
0xc0: {  	s8 =	sadd.s32 $0x1000, s8;
	v8 =	vadd.f32 v1, v8;
	v14 =	vadd.f32 v15, v14;
	v15 =	vmul.f32 v25, v24;
	v20 =	vld [tilespmem:s1+$0xC200]  }
0xc1: {  	s9 =	sadd.s32 $0x1000, s9;
	v9 =	vadd.f32 v17, v9;
	v1 =	vld [tilespmem:s8+$0x200];
	v10 =	vadd.f32 v18, v10;
	v17 =	vmul.f32 v3, v30  }
0xc2: {  	v7 =	vmul.f32 v12, v7;
	v8 =	vadd.f32 v4, v8;
	v14 =	vadd.f32 v15, v14;
	v3 =	vld [tilespmem:s9+$0x200]  }
0xc3: {  	v9 =	vadd.f32 v5, v9;
	v4 =	vld [tilespmem:s8+$0x300];
	v10 =	vadd.f32 v17, v10;
	v12 =	vmul.f32 v16, v13  }
0xc4: {  	v0 =	vmul.f32 v2, v0;
	v8 =	vadd.f32 v6, v8;
	v7 =	vadd.f32 v7, v14;
	v5 =	vld [tilespmem:s9+$0x300]  }
0xc5: {  	v2 =	vadd.f32 v11, v9;
	v6 =	vld [tilespmem:s8+$0x0];
	v10 =	vadd.f32 v12, v10;
	v12 =	vmul.f32 v20, v19  }
0xc6: {  	v8 =	vadd.f32 v31, v8;
	v14 =	vadd.f32 v0, v7;
	v11 =	vld [tilespmem:s9+$0x0]  }
0xc7: {  	v9 =	vadd.f32 v32, v2;
	v13 =	vld [tilespmem:s8+$0x100];
	v10 =	vadd.f32 v12, v10  }
0xc8: {  	v16 =	vld [tilespmem:s9+$0x100]  }
0xc9: {  	v15 =	vld [tilespmem:s8+$0xFFFFFA00]  }
0xca: {  	v17 =	vld [tilespmem:s9+$0xFFFFFA00]  }
0xcb: {  	v18 =	vld [tilespmem:s8+$0xFFFFFB00]  }
0xcc: {  	v21 =	vld [tilespmem:s9+$0xFFFFFB00]  }
0xcd: {  	v19 =	vld [tilespmem:s8+$0xFFFFF800]  }
0xce: {  	v23 =	vld [tilespmem:s9+$0xFFFFF800]  }
0xcf: {  	s28 =	sadd.s32 s26, s10;
	v20 =	vld [tilespmem:s8+$0xFFFFF900]  }
0xd0: {  	s1 =	sor.u32 $0xA80, s28;
	v22 =	vld [tilespmem:s9+$0xFFFFF900]  }
0xd1: {  	v0 =	vld [tilespmem:s1+$0x8200]  }
0xd2: {  	s2 =	sor.u32 $0x880, s28;
	v2 =	vld [tilespmem:s1+$0xC200]  }
0xd3: {  	v7 =	vld [tilespmem:s2+$0x8200]  }
.Ltmp2:
0xd4: {  	s1 =	sor.u32 $0x280, s28;
	v12 =	vld [tilespmem:s2+$0xC200];
	(pc) =	sbr.rel @p1 .LBB2_8-.Ltmp2, $4  }
0xd5: {  	v24 =	vld [tilespmem:s1+$0x8200]  }
0xd6: {  	s2 =	sor.u32 $0x80, s28;
	v25 =	vld [tilespmem:s1+$0xC200]  }
0xd7: {  	v26 =	vld [tilespmem:s2+$0x8200]  }
0xd8: {  	s26 =	sadd.s32 $0x1000, s26;
	s1 =	sor.u32 $0x180, s28;
	v27 =	vld [tilespmem:s2+$0xC200]  }
0xd9: {  	v28 =	vld [tilespmem:s1+$0x8200];
	s2 =	sor.u32 s25, s14  }
0xda: {  	v29 =	vld [tilespmem:s1+$0xC200];
	s26 =	sor.u32 $0x380, s2  }
0xdb: {  	v1 =	vmul.f32 v3, v1;
	v42 =	vmul.f32 v5, v4;
	v30 =	vld [tilespmem:s26+$0x8200]  }
0xdc: {  	v44 =	vmul.f32 v11, v6;
	v45 =	vmul.f32 v16, v13;
	s28 =	sor.u32 $0x980, s28;
	v43 =	vld [tilespmem:s26+$0xC200]  }
0xdd: {  	v46 =	vmul.f32 v17, v15;
	v47 =	vmul.f32 v21, v18;
	v48 =	vld [tilespmem:s28+$0x8200]  }
0xde: {  	v49 =	vmul.f32 v23, v19;
	v52 =	vmul.f32 v22, v20;
	v51 =	vld [tilespmem:s28+$0xC200];
	s31 =	sor.u32 $0xB80, s2  }
0xdf: {  	v54 =	vld [tilespmem:s31+$0x8200];
	v50 =	vmul.f32 v27, v26;
	v53 =	vmul.f32 v29, v28  }
0xe0: {  	v8 =	vadd.f32 v49, v8;
	v55 =	vmul.f32 v25, v24;
	v56 =	vld [tilespmem:s31+$0xC200];
	v9 =	vadd.f32 v52, v9  }
0xe1: {  	v14 =	vadd.f32 v50, v14;
	v10 =	vadd.f32 v53, v10;
	v4 =	vmul.f32 v43, v30  }
0xe2: {  	v7 =	vmul.f32 v12, v7;
	v8 =	vadd.f32 v46, v8;
	v9 =	vadd.f32 v47, v9  }
0xe3: {  	v58 =	vmul.f32 v51, v48;
	v57 =	vadd.f32 v55, v14;
	v4 =	vadd.f32 v4, v10  }
0xe4: {  	v0 =	vmul.f32 v2, v0;
	v5 =	vadd.f32 v44, v8;
	v59 =	vadd.f32 v45, v9  }
0xe5: {  	v60 =	vmul.f32 v56, v54;
	v7 =	vadd.f32 v7, v57;
	v4 =	vadd.f32 v58, v4  }
0xe6: {  	v1 =	vadd.f32 v1, v5;
	v2 =	vadd.f32 v42, v59  }
0xe7: {  	v0 =	vadd.f32 v0, v7;
	v61 =	vadd.f32 v60, v4  }
0xe8: {  	v62 =	vld [tilespmem:s18+$0x10200]  }
0xe9: {  	s17 =	sadd.s32 $0x1, s17;
	v0 =	vadd.f32 v0, v1;
	v63 =	vadd.f32 v61, v2  }
0xea: {  	p1 =	sne.s32 s17, $0x10  }
.Ltmp3:
0xeb: {  	v0 =	vadd.f32 v63, v0;
	(pc) =	sbr.rel @p1 .LBB2_7-.Ltmp3, $3  }
0xec: {  	_ = 	snop  }
0xed: {  	v0 =	vadd.f32 v62, v0;
	_ =	sdelay $0x1  }
0xee: {  	s4 =	sadd.s32 $0x10, s4;
	s0 =	sadd.s32 $0x80, s0;
	s30 =	sadd.s32 $0x1, s30;
	[tilespmem:s18+$0x10300] =	vst v0  }
.Ltmp4:
0xef: {  	(pc) =	sbr.rel @p0 .LBB2_2-.Ltmp4, $4  }
0xf0: {  	_ = 	snop  }
0xf1: {  	s0 =	sadd.s32 s7, s29  }
0xf2: {  	[hbm4b:s0+s5] =	stream.linear.scatter [tilespmem:s24], [sflag:$0x4], $0x100, $0x38;
	[tilespmem:$0x10400] =	vst v63  }
0xf3: {  	p1 =	por $0x0, $0x0;
	s0 =	simm.s32 $0x40  }
0xf4: {  	s0 =	simm.s32 $0x4  }
0xf5: {  	_ =	swait.ge [sflag:s0], $0x100  }
0xf6: {  	[sflag:s0] =	ssyncset.done $0x0  }
0xf7: {  	s1 =	simm.s32 $0x3;
	[sflag:s0] =	ssyncadd.s32 $0xFFFFFF00  }
0xf8: {  	_ =	swait.ge [sflag:s1], $0x100  }
0xf9: {  	s2 =	rddreg [dreg:$0x9]  }
0xfa: {  	s31 =	rddreg [dreg:$0x8];
	s2 =	sadd.s32 $0x1, s2  }
0xfb: {  	p0 =	sne.s32 s2, s31  }
.Ltmp5:
0xfc: {  	_ = 	snop;
	(pc) =	sbr.rel @p0 .LBB2_1-.Ltmp5, $3  }
0xfd: {  	_ =	sdelay $0x1  }
0xfe: {  	[sflag:s1] =	ssyncset.done $0x0  }
0xff: {  	[sflag:s1] =	ssyncadd.s32 $0xFFFFFF00  }
0x100: {  	_ =	sfence.sel $0x180000  }
0x101: {  	[bflag:$0x0] =	sbarrier.arrive $0xFFFF  }
0x102: {  	_ =	strace $0x90000047  }
0x103: {  	s0 =	stileid.u32;
	[bflag:$0x2] =	sbarrier.arrive $0xFFFF  }
0x104: {  	p0 =	sne.s32 s0, $0x0;
	s0 =	rddreg [dreg:$0x4]  }
0x105: {  	s0 =	sadd.s32 @!p0 $0x100000, s0  }
0x106: {  	[sflag:s0] =	ssyncadd.tile.s32 @!p0 $0x1;
	_ =	shalt  }
.Lfunc_end2:
_tile_overlayer_lowered:
.L_overlay_start_2:
0x107: {  	(tag) =	ssettag $0x2  }
0x108: {  	s0 =	rddreg [dreg:$0x0];
	s2 =	stileid.u32  }
0x109: {  	s1 =	rddreg [dreg:$0x1];
	p0 =	sne.s32 s2, $0x0  }
0x10a: {  	s3 =	rddreg [dreg:$0x2];
	[bflag:$0x3] =	sbarrier.arrive $0xFFFF;
	s2 =	simm.s32 @!p0 $0x1C05  }
0x10b: {  	[timem:s3], [sflag:s2] =	dma.local @!p0 [hbm:s0], s1  }
0x10c: {  	s0 =	simm.s32 @!p0 $0x5  }
0x10d: {  	_ =	swait.ge @!p0 [sflag:s0], s1  }
0x10e: {  	s1 =	ssub.s32 @!p0 $0x0, s1;
	[sflag:s0] =	ssyncset.done @!p0 $0x0  }
0x10f: {  	[sflag:s0] =	ssyncadd.s32 @!p0 s1  }
0x110: {  	[bflag:$0x3] =	sbarrier.arrive $0xFFFF  }
0x111: {  	_ =	shalt  }

</sc_bundles>
